<compile_context>
chip_gen: v7x
topology: tpu7x:2x2x1
jax: 0.10.2.dev20260603
libtpu: 0.0.44.dev20260713+nightly
codegen_flags: <defaults>
</compile_context>

<pallas_src>
import jax
import jax.numpy as jnp
from jax import lax
from jax.experimental import pallas as pl
from jax.experimental.pallas import tpu as pltpu

_N = 10000
_E = 160000
_F = 128
_F3 = 384


def _sigmoid(v):
    return 0.5 * (jnp.tanh(0.5 * v) + 1.0)


def _body(pe2_ref, nperm_ref, ndeg_ref, e2s_ref, niter_ref,
          x_ref, WiouT_ref, biou_ref, UiouT_ref, buiou_ref,
          WfT_ref, bfsum_ref, UfT_ref,
          h_ref,
          xfb_ref, c_ref, hUf_ref, obuf_ref, fcbuf_ref):
    h_ref[...] = jnp.zeros((_N, _F), jnp.float32)
    c_ref[...] = jnp.zeros((_N, _F), jnp.float32)
    hUf_ref[...] = jnp.zeros((_N, _F), jnp.float32)
    xfb_ref[...] = (
        jnp.dot(x_ref[...], WfT_ref[...], preferred_element_type=jnp.float32)
        + bfsum_ref[...]
    )

    def iter_body(r, nptr):
        def a_body(q, _):
            v = nperm_ref[q]
            pk = pe2_ref[e2s_ref[q] + (r - 1)]
            ch = pk & 16383
            f = _sigmoid(xfb_ref[pl.ds(v, 1), :] + hUf_ref[pl.ds(ch, 1), :])
            fcbuf_ref[pl.ds(q - nptr, 1), :] = f * c_ref[pl.ds(ch, 1), :]
            return 0

        lax.cond(r > 0,
                 lambda: lax.fori_loop(nptr, _N, a_body, 0),
                 lambda: 0)

        def b_cond(q):
            return (q < _N) & (ndeg_ref[jnp.minimum(q, _N - 1)] == r)

        def b_body(q):
            v = nperm_ref[q]
            e2 = e2s_ref[q]

            def acc_body(j, acc):
                pk = pe2_ref[e2 + j]
                m = (pk >> 14).astype(jnp.float32)
                ch = pk & 16383
                return acc + m * h_ref[pl.ds(ch, 1), :]

            hs = lax.fori_loop(0, r, acc_body,
                               jnp.zeros((1, _F), jnp.float32))
            iou = (
                jnp.dot(x_ref[pl.ds(v, 1), :], WiouT_ref[...],
                        preferred_element_type=jnp.float32)
                + biou_ref[...]
            )
            term = (
                jnp.dot(hs, UiouT_ref[...],
                        preferred_element_type=jnp.float32)
                + buiou_ref[...]
            )
            iou = iou + jnp.where(r > 0, 1.0, 0.0) * term
            gi = _sigmoid(iou[:, :_F])
            go = _sigmoid(iou[:, _F:2 * _F])
            gu = jnp.tanh(iou[:, 2 * _F:])
            c_ref[pl.ds(v, 1), :] = gi * gu
            obuf_ref[pl.ds(v, 1), :] = go
            return q + 1

        nend = lax.while_loop(b_cond, b_body, nptr)

        def c_body(q, _):
            v = nperm_ref[q]
            c_ref[pl.ds(v, 1), :] = (
                c_ref[pl.ds(v, 1), :] + fcbuf_ref[pl.ds(q - nptr, 1), :]
            )
            return 0

        lax.cond(r > 0,
                 lambda: lax.fori_loop(nptr, _N, c_body, 0),
                 lambda: 0)

        def d_body(q, _):
            v = nperm_ref[q]
            hrow = obuf_ref[pl.ds(v, 1), :] * jnp.tanh(c_ref[pl.ds(v, 1), :])
            h_ref[pl.ds(v, 1), :] = hrow
            hUf_ref[pl.ds(v, 1), :] = jnp.dot(
                hrow, UfT_ref[...], preferred_element_type=jnp.float32)
            return 0

        lax.fori_loop(nptr, nend, d_body, 0)
        return nend

    lax.fori_loop(0, niter_ref[0], iter_body, 0)


def kernel(x, edge_index, edge_feats, edge_types,
           W_iou_w, W_iou_b, U_iou_w, U_iou_b,
           W_f_w, W_f_b, U_f_w, U_f_b):
    del edge_feats, edge_types

    parents = edge_index[0].astype(jnp.int32)
    children = edge_index[1].astype(jnp.int32)
    order = jnp.argsort(parents, stable=True)
    sp = parents[order]
    idx = jnp.arange(_E, dtype=jnp.int32)
    is_grp = jnp.concatenate([jnp.zeros((1,), dtype=bool), sp[1:] != sp[:-1]])
    group_start = jnp.where(is_grp, idx, 0)
    group_start = lax.cummax(group_start, axis=0)
    pos = idx - group_start + 1
    rank = jnp.zeros(_E, dtype=jnp.int32).at[order].set(pos)
    deg = jnp.bincount(parents, length=_N).astype(jnp.int32)
    niter = (deg.max() + 1).astype(jnp.int32).reshape(1)

    nperm = jnp.argsort(deg, stable=True).astype(jnp.int32)
    ndeg = deg[nperm]
    e2start = jnp.concatenate(
        [jnp.zeros((1,), jnp.int32), jnp.cumsum(ndeg)[:-1].astype(jnp.int32)])

    inv_nperm = jnp.zeros(_N, dtype=jnp.int32).at[nperm].set(
        jnp.arange(_N, dtype=jnp.int32))
    wperm = jnp.argsort(inv_nperm[parents], stable=True)
    mask2 = (deg[children] < rank).astype(jnp.int32)
    packed2 = (mask2 * (1 << 14) + children)[wperm]

    smem = pl.BlockSpec(memory_space=pltpu.SMEM)
    vmem = pl.BlockSpec(memory_space=pltpu.VMEM)
    out = pl.pallas_call(
        _body,
        out_shape=jax.ShapeDtypeStruct((_N, _F), jnp.float32),
        in_specs=[smem] * 5 + [vmem] * 8,
        out_specs=vmem,
        scratch_shapes=[
            pltpu.VMEM((_N, _F), jnp.float32),
            pltpu.VMEM((_N, _F), jnp.float32),
            pltpu.VMEM((_N, _F), jnp.float32),
            pltpu.VMEM((_N, _F), jnp.float32),
            pltpu.VMEM((_N, _F), jnp.float32),
        ],
    )(
        packed2, nperm, ndeg, e2start, niter,
        x,
        W_iou_w.T, W_iou_b.reshape(1, _F3),
        U_iou_w.T, U_iou_b.reshape(1, _F3),
        W_f_w.T, (W_f_b + U_f_b).reshape(1, _F),
        U_f_w.T,
    )
    return out

# --- scband reference (transcript-rebuilt; emitter-appended) ---
"""Pipeline reference for scband-lstm-7404523618677 (READ-ONLY COPY).

The authoritative reference and input builder live on the scoring server;
editing this copy changes nothing except your own understanding.
"""

import jax, jax.numpy as jnp
import numpy as np

N = 10000
E = 160000
IN_F = 128
OUT_F = 128


def _orders(edge_index):
    adj = edge_index.T  # [E, 2] (parent, child)
    parents = adj[:, 0]
    En = adj.shape[0]
    order = jnp.argsort(parents, stable=True)
    sp = parents[order]
    idx = jnp.arange(En, dtype=jnp.int32)
    is_start = jnp.concatenate([jnp.zeros((1,), dtype=bool), sp[1:] != sp[:-1]])
    group_start = jnp.where(is_start, idx, 0)
    group_start = jax.lax.cummax(group_start, axis=0)
    pos = idx - group_start + 1
    edge_order = jnp.zeros(En, dtype=jnp.int32).at[order].set(pos)
    node_order = jnp.bincount(parents, length=N).astype(jnp.int32)
    return adj, node_order, edge_order


def setup_inputs(seed: int = 0):
    key = jax.random.key(seed)
    ks = jax.random.split(key, 12)
    x = jax.random.normal(ks[0], (N, IN_F), dtype=jnp.float32)
    edge_index = jax.random.randint(ks[1], (2, E), 0, N, dtype=jnp.int32)
    edge_feats = jax.random.normal(ks[2], (10, IN_F), dtype=jnp.float32)
    edge_types = jax.random.uniform(ks[3], (E, 10), dtype=jnp.float32)

    def lin(k, fan_in, shape):
        b = 1.0 / np.sqrt(fan_in)
        return jax.random.uniform(k, shape, minval=-b, maxval=b, dtype=jnp.float32)

    W_iou_w = lin(ks[4], IN_F, (3 * OUT_F, IN_F))
    W_iou_b = lin(ks[5], IN_F, (3 * OUT_F,))
    U_iou_w = lin(ks[6], OUT_F, (3 * OUT_F, OUT_F))
    U_iou_b = lin(ks[7], OUT_F, (3 * OUT_F,))
    W_f_w = lin(ks[8], IN_F, (OUT_F, IN_F))
    W_f_b = lin(ks[9], IN_F, (OUT_F,))
    U_f_w = lin(ks[10], OUT_F, (OUT_F, OUT_F))
    U_f_b = lin(ks[11], OUT_F, (OUT_F,))
    return {'x': x, 'edge_index': edge_index, 'edge_feats': edge_feats, 'edge_types': edge_types,
            'W_iou_w': W_iou_w, 'W_iou_b': W_iou_b, 'U_iou_w': U_iou_w, 'U_iou_b': U_iou_b,
            'W_f_w': W_f_w, 'W_f_b': W_f_b, 'U_f_w': U_f_w, 'U_f_b': U_f_b}


def reference(x, edge_index, edge_feats, edge_types, W_iou_w, W_iou_b, U_iou_w, U_iou_b, W_f_w, W_f_b, U_f_w, U_f_b):
    adj, node_order, edge_order = _orders(edge_index)
    tmp = jnp.arange(1.0, 11.0).reshape(10, 1)
    _ = jnp.matmul(edge_types, tmp)  # computed as in original forward; unused in default config
    h = jnp.zeros((N, OUT_F), dtype=jnp.float32)
    c = jnp.zeros((N, OUT_F), dtype=jnp.float32)
    h_sum = jnp.zeros((N, OUT_F), dtype=jnp.float32)
    n_iter = node_order.max() + 1
    p = adj[:, 0]
    ch = adj[:, 1]

    def body(n, carry):
        h, c, h_sum = carry
        node_mask = (node_order == n)[:, None]
        edge_mask = (edge_order == n)[:, None]
        child_h = h[ch]
        child_c = c[ch]
        h_sum = h_sum.at[p].add(jnp.where(edge_mask, child_h, 0.0))
        base = x @ W_iou_w.T + W_iou_b
        term = h_sum @ U_iou_w.T + U_iou_b
        iou = jnp.where(n == 0, base, base + term)
        i, o, u = jnp.split(iou, 3, axis=1)
        i = jax.nn.sigmoid(i)
        o = jax.nn.sigmoid(o)
        u = jnp.tanh(u)
        c = jnp.where(node_mask, i * u, c)
        f = jax.nn.sigmoid(x[p] @ W_f_w.T + W_f_b + child_h @ U_f_w.T + U_f_b)
        fc = f * child_c
        c = c.at[p].add(jnp.where(edge_mask, fc, 0.0))
        h = jnp.where(node_mask, o * jnp.tanh(c), h)
        return h, c, h_sum

    h, c, h_sum = jax.lax.fori_loop(0, n_iter, body, (h, c, h_sum))
    return h

if __name__ == "__main__":
    import jax
    _d = setup_inputs()
    print(jax.jit(kernel)(*tuple(_d.values())))

</pallas_src>

<mosaic_0001>
module attributes {stable_mosaic.version = 14 : i64} {
  func.func @_body(%arg0: memref<160000xi32, #tpu.memory_space<smem>>, %arg1: memref<10000xi32, #tpu.memory_space<smem>>, %arg2: memref<10000xi32, #tpu.memory_space<smem>>, %arg3: memref<10000xi32, #tpu.memory_space<smem>>, %arg4: memref<1xi32, #tpu.memory_space<smem>>, %arg5: memref<10000x128xf32, #tpu.memory_space<vmem>>, %arg6: memref<128x384xf32, #tpu.memory_space<vmem>>, %arg7: memref<1x384xf32, #tpu.memory_space<vmem>>, %arg8: memref<128x384xf32, #tpu.memory_space<vmem>>, %arg9: memref<1x384xf32, #tpu.memory_space<vmem>>, %arg10: memref<128x128xf32, #tpu.memory_space<vmem>>, %arg11: memref<1x128xf32, #tpu.memory_space<vmem>>, %arg12: memref<128x128xf32, #tpu.memory_space<vmem>>, %arg13: memref<10000x128xf32, #tpu.memory_space<vmem>>, %arg14: memref<10000x128xf32, #tpu.memory_space<vmem>>, %arg15: memref<10000x128xf32, #tpu.memory_space<vmem>>, %arg16: memref<10000x128xf32, #tpu.memory_space<vmem>>, %arg17: memref<10000x128xf32, #tpu.memory_space<vmem>>, %arg18: memref<10000x128xf32, #tpu.memory_space<vmem>>) attributes {dimension_semantics = [], scalar_prefetch = 0 : i64, scratch_operands = 5 : i64, tpu.core_type = #tpu.core_type<tc>} {
    %broadcast_in_dim3A = arith.constant 0.000000e+00 : f32
    %broadcast_in_dim3A_0 = vector.broadcast %broadcast_in_dim3A : f32 to vector<10000x128xf32>
    %swap3A = arith.constant 0 : index
    %swap3A_1 = arith.constant 0 : index
    %swap3A_2 = vector.load %arg13[%swap3A, %swap3A_1] : memref<10000x128xf32, #tpu.memory_space<vmem>>, vector<10000x128xf32>
    tpu.vector_store %arg13[%swap3A, %swap3A_1], %broadcast_in_dim3A_0 {strides = array<i32>} : memref<10000x128xf32, #tpu.memory_space<vmem>>, vector<10000x128xf32>,
    %broadcast_in_dim3A_3 = arith.constant 0.000000e+00 : f32
    %broadcast_in_dim3A_4 = vector.broadcast %broadcast_in_dim3A_3 : f32 to vector<10000x128xf32>
    %swap3A_5 = arith.constant 0 : index
    %swap3A_6 = arith.constant 0 : index
    %swap3A_7 = vector.load %arg15[%swap3A_5, %swap3A_6] : memref<10000x128xf32, #tpu.memory_space<vmem>>, vector<10000x128xf32>
    tpu.vector_store %arg15[%swap3A_5, %swap3A_6], %broadcast_in_dim3A_4 {strides = array<i32>} : memref<10000x128xf32, #tpu.memory_space<vmem>>, vector<10000x128xf32>,
    %broadcast_in_dim3A_8 = arith.constant 0.000000e+00 : f32
    %broadcast_in_dim3A_9 = vector.broadcast %broadcast_in_dim3A_8 : f32 to vector<10000x128xf32>
    %swap3A_10 = arith.constant 0 : index
    %swap3A_11 = arith.constant 0 : index
    %swap3A_12 = vector.load %arg16[%swap3A_10, %swap3A_11] : memref<10000x128xf32, #tpu.memory_space<vmem>>, vector<10000x128xf32>
    tpu.vector_store %arg16[%swap3A_10, %swap3A_11], %broadcast_in_dim3A_9 {strides = array<i32>} : memref<10000x128xf32, #tpu.memory_space<vmem>>, vector<10000x128xf32>,
    %get3A = arith.constant 0 : index
    %get3A_13 = arith.constant 0 : index
    %get3A_14 = vector.load %arg5[%get3A, %get3A_13] : memref<10000x128xf32, #tpu.memory_space<vmem>>, vector<10000x128xf32>
    %get3A_15 = arith.constant 0 : index
    %get3A_16 = arith.constant 0 : index
    %get3A_17 = vector.load %arg10[%get3A_15, %get3A_16] : memref<128x128xf32, #tpu.memory_space<vmem>>, vector<128x128xf32>
    %dot_general3A = arith.constant dense<0.000000e+00> : vector<10000x128xf32>
    %dot_general3A_18 = tpu.matmul %get3A_14, %get3A_17, %dot_general3A {dimension_numbers = #tpu.dot_dimension_numbers<[1], [0], [0], [1], [0, 0, 1, 1], [], []>, transpose_lhs_hint = false} : vector<10000x128xf32>, vector<128x128xf32>, vector<10000x128xf32> -> vector<10000x128xf32>
    %get3A_19 = arith.constant 0 : index
    %get3A_20 = arith.constant 0 : index
    %get3A_21 = vector.load %arg11[%get3A_19, %get3A_20] : memref<1x128xf32, #tpu.memory_space<vmem>>, vector<1x128xf32>
    %add3A = vector.broadcast %get3A_21 : vector<1x128xf32> to vector<10000x128xf32>
    %add3A_22 = arith.addf %dot_general3A_18, %add3A : vector<10000x128xf32>
    %swap3A_23 = arith.constant 0 : index
    %swap3A_24 = arith.constant 0 : index
    %swap3A_25 = vector.load %arg14[%swap3A_23, %swap3A_24] : memref<10000x128xf32, #tpu.memory_space<vmem>>, vector<10000x128xf32>
    tpu.vector_store %arg14[%swap3A_23, %swap3A_24], %add3A_22 {strides = array<i32>} : memref<10000x128xf32, #tpu.memory_space<vmem>>, vector<10000x128xf32>,
    %get3A_26 = arith.constant 0 : index
    %get3A_27 = memref.load %arg4[%get3A_26] : memref<1xi32, #tpu.memory_space<smem>>
    %while3A = arith.constant 0 : i32
    %while3A_28 = arith.constant 0 : i32
    %while3A_29 = arith.subi %get3A_27, %while3A : i32
    %while3A_30 = arith.addi %while3A, %while3A_29 : i32
    %while3A_31 = arith.constant 1 : i32
    %while3A_32 = arith.divsi %while3A_29, %while3A_31 : i32
    %while3A_33 = arith.muli %while3A_32, %while3A_31 : i32
    %while3A_34 = arith.addi %while3A, %while3A_33 : i32
    %while3A_35 = arith.constant 1 : i32
    %while3A_36 = scf.for %while3A_39 = %while3A to %while3A_34 step %while3A_35 iter_args(%while3A_40 = %while3A_28) -> (i32)  : i32 {
      %gt3A = arith.constant 0 : i32
      %gt3A_41 = arith.cmpi sgt, %while3A_39, %gt3A : i32
      %convert_element_type3A = arith.extui %gt3A_41 : i1 to i32
      %cond3A = arith.constant 0 : i32
      %cond3A_42 = arith.cmpi ne, %convert_element_type3A, %cond3A : i32
      %cond3A_43 = scf.if %cond3A_42 -> (i32) {
        %while3A_62 = arith.constant 10000 : i32
        %while3A_63 = arith.constant 0 : i32
        %while3A_64 = arith.subi %while3A_62, %while3A_40 : i32
        %while3A_65 = arith.addi %while3A_40, %while3A_64 : i32
        %while3A_66 = arith.constant 1 : i32
        %while3A_67 = arith.divsi %while3A_64, %while3A_66 : i32
        %while3A_68 = arith.muli %while3A_67, %while3A_66 : i32
        %while3A_69 = arith.addi %while3A_40, %while3A_68 : i32
        %while3A_70 = arith.constant 1 : i32
        %while3A_71 = scf.for %while3A_74 = %while3A_40 to %while3A_69 step %while3A_70 iter_args(%while3A_75 = %while3A_63) -> (i32)  : i32 {
          %get3A_76 = arith.index_cast %while3A_74 : i32 to index
          %get3A_77 = memref.load %arg1[%get3A_76] : memref<10000xi32, #tpu.memory_space<smem>>
          %get3A_78 = arith.index_cast %while3A_74 : i32 to index
          %get3A_79 = memref.load %arg3[%get3A_78] : memref<10000xi32, #tpu.memory_space<smem>>
          %sub3A = arith.constant 1 : i32
          %sub3A_80 = arith.subi %while3A_39, %sub3A : i32
          %add3A_81 = arith.addi %get3A_79, %sub3A_80 : i32
          %get3A_82 = arith.index_cast %add3A_81 : i32 to index
          %get3A_83 = memref.load %arg0[%get3A_82] : memref<160000xi32, #tpu.memory_space<smem>>
          %and3A = arith.constant 16383 : i32
          %and3A_84 = arith.andi %get3A_83, %and3A : i32
          %get3A_85 = arith.index_cast %get3A_77 : i32 to index
          %get3A_86 = arith.constant 0 : index
          %get3A_87 = vector.load %arg14[%get3A_85, %get3A_86] : memref<10000x128xf32, #tpu.memory_space<vmem>>, vector<1x128xf32>
          %get3A_88 = arith.index_cast %and3A_84 : i32 to index
          %get3A_89 = arith.constant 0 : index
          %get3A_90 = vector.load %arg16[%get3A_88, %get3A_89] : memref<10000x128xf32, #tpu.memory_space<vmem>>, vector<1x128xf32>
          %add3A_91 = arith.addf %get3A_87, %get3A_90 : vector<1x128xf32>
          %mul3A = arith.constant 5.000000e-01 : f32
          %mul3A_92 = vector.broadcast %mul3A : f32 to vector<1x128xf32>
          %mul3A_93 = arith.mulf %mul3A_92, %add3A_91 : vector<1x128xf32>
          %tanh3A = math.tanh %mul3A_93 : vector<1x128xf32>
          %add3A_94 = arith.constant 1.000000e+00 : f32
          %add3A_95 = vector.broadcast %add3A_94 : f32 to vector<1x128xf32>
          %add3A_96 = arith.addf %tanh3A, %add3A_95 : vector<1x128xf32>
          %mul3A_97 = arith.constant 5.000000e-01 : f32
          %mul3A_98 = vector.broadcast %mul3A_97 : f32 to vector<1x128xf32>
          %mul3A_99 = arith.mulf %mul3A_98, %add3A_96 : vector<1x128xf32>
          %get3A_100 = arith.index_cast %and3A_84 : i32 to index
          %get3A_101 = arith.constant 0 : index
          %get3A_102 = vector.load %arg15[%get3A_100, %get3A_101] : memref<10000x128xf32, #tpu.memory_space<vmem>>, vector<1x128xf32>
          %mul3A_103 = arith.mulf %mul3A_99, %get3A_102 : vector<1x128xf32>
          %sub3A_104 = arith.subi %while3A_74, %while3A_40 : i32
          %swap3A_105 = arith.index_cast %sub3A_104 : i32 to index
          %swap3A_106 = arith.constant 0 : index
          %swap3A_107 = vector.load %arg18[%swap3A_105, %swap3A_106] : memref<10000x128xf32, #tpu.memory_space<vmem>>, vector<1x128xf32>
          tpu.vector_store %arg18[%swap3A_105, %swap3A_106], %mul3A_103 {strides = array<i32>} : memref<10000x128xf32, #tpu.memory_space<vmem>>, vector<1x128xf32>,
          %while3A_108 = arith.constant 0 : i32
          scf.yield %while3A_108 : i32
        }
        %while3A_72 = arith.constant 1 : i32
        %while3A_73 = scf.for %while3A_74 = %while3A_69 to %while3A_65 step %while3A_72 iter_args(%while3A_75 = %while3A_71) -> (i32)  : i32 {
          %get3A_76 = arith.index_cast %while3A_74 : i32 to index
          %get3A_77 = memref.load %arg1[%get3A_76] : memref<10000xi32, #tpu.memory_space<smem>>
          %get3A_78 = arith.index_cast %while3A_74 : i32 to index
          %get3A_79 = memref.load %arg3[%get3A_78] : memref<10000xi32, #tpu.memory_space<smem>>
          %sub3A = arith.constant 1 : i32
          %sub3A_80 = arith.subi %while3A_39, %sub3A : i32
          %add3A_81 = arith.addi %get3A_79, %sub3A_80 : i32
          %get3A_82 = arith.index_cast %add3A_81 : i32 to index
          %get3A_83 = memref.load %arg0[%get3A_82] : memref<160000xi32, #tpu.memory_space<smem>>
          %and3A = arith.constant 16383 : i32
          %and3A_84 = arith.andi %get3A_83, %and3A : i32
          %get3A_85 = arith.index_cast %get3A_77 : i32 to index
          %get3A_86 = arith.constant 0 : index
          %get3A_87 = vector.load %arg14[%get3A_85, %get3A_86] : memref<10000x128xf32, #tpu.memory_space<vmem>>, vector<1x128xf32>
          %get3A_88 = arith.index_cast %and3A_84 : i32 to index
          %get3A_89 = arith.constant 0 : index
          %get3A_90 = vector.load %arg16[%get3A_88, %get3A_89] : memref<10000x128xf32, #tpu.memory_space<vmem>>, vector<1x128xf32>
          %add3A_91 = arith.addf %get3A_87, %get3A_90 : vector<1x128xf32>
          %mul3A = arith.constant 5.000000e-01 : f32
          %mul3A_92 = vector.broadcast %mul3A : f32 to vector<1x128xf32>
          %mul3A_93 = arith.mulf %mul3A_92, %add3A_91 : vector<1x128xf32>
          %tanh3A = math.tanh %mul3A_93 : vector<1x128xf32>
          %add3A_94 = arith.constant 1.000000e+00 : f32
          %add3A_95 = vector.broadcast %add3A_94 : f32 to vector<1x128xf32>
          %add3A_96 = arith.addf %tanh3A, %add3A_95 : vector<1x128xf32>
          %mul3A_97 = arith.constant 5.000000e-01 : f32
          %mul3A_98 = vector.broadcast %mul3A_97 : f32 to vector<1x128xf32>
          %mul3A_99 = arith.mulf %mul3A_98, %add3A_96 : vector<1x128xf32>
          %get3A_100 = arith.index_cast %and3A_84 : i32 to index
          %get3A_101 = arith.constant 0 : index
          %get3A_102 = vector.load %arg15[%get3A_100, %get3A_101] : memref<10000x128xf32, #tpu.memory_space<vmem>>, vector<1x128xf32>
          %mul3A_103 = arith.mulf %mul3A_99, %get3A_102 : vector<1x128xf32>
          %sub3A_104 = arith.subi %while3A_74, %while3A_40 : i32
          %swap3A_105 = arith.index_cast %sub3A_104 : i32 to index
          %swap3A_106 = arith.constant 0 : index
          %swap3A_107 = vector.load %arg18[%swap3A_105, %swap3A_106] : memref<10000x128xf32, #tpu.memory_space<vmem>>, vector<1x128xf32>
          tpu.vector_store %arg18[%swap3A_105, %swap3A_106], %mul3A_103 {strides = array<i32>} : memref<10000x128xf32, #tpu.memory_space<vmem>>, vector<1x128xf32>,
          %while3A_108 = arith.constant 0 : i32
          scf.yield %while3A_108 : i32
        }
        scf.yield %while3A_73 : i32
      } else {
        %cond3A_62 = arith.constant 0 : i32
        scf.yield %cond3A_62 : i32
      }
      %while3A_44 = scf.while (%while3A_62 = %while3A_40) : (i32) -> i32 {
        %lt3A = arith.constant 10000 : i32
        %lt3A_63 = arith.cmpi slt, %while3A_62, %lt3A : i32
        %min3A = arith.constant 9999 : i32
        %min3A_64 = arith.minsi %while3A_62, %min3A : i32
        %get3A_65 = arith.index_cast %min3A_64 : i32 to index
        %get3A_66 = memref.load %arg2[%get3A_65] : memref<10000xi32, #tpu.memory_space<smem>>
        %eq3A = arith.cmpi eq, %get3A_66, %while3A_39 : i32
        %and3A = arith.andi %lt3A_63, %eq3A : i1
        scf.condition(%and3A) %while3A_62 : i32
      } do {
      ^bb0(%while3A_62: i32):
        %get3A_63 = arith.index_cast %while3A_62 : i32 to index
        %get3A_64 = memref.load %arg1[%get3A_63] : memref<10000xi32, #tpu.memory_space<smem>>
        %get3A_65 = arith.index_cast %while3A_62 : i32 to index
        %get3A_66 = memref.load %arg3[%get3A_65] : memref<10000xi32, #tpu.memory_space<smem>>
        %broadcast_in_dim3A_67 = arith.constant 0.000000e+00 : f32
        %broadcast_in_dim3A_68 = vector.broadcast %broadcast_in_dim3A_67 : f32 to vector<1x128xf32>
        %while3A_69 = arith.constant 0 : i32
        %while3A_70 = arith.subi %while3A_39, %while3A_69 : i32
        %while3A_71 = arith.addi %while3A_69, %while3A_70 : i32
        %while3A_72 = arith.constant 1 : i32
        %while3A_73 = arith.divsi %while3A_70, %while3A_72 : i32
        %while3A_74 = arith.muli %while3A_73, %while3A_72 : i32
        %while3A_75 = arith.addi %while3A_69, %while3A_74 : i32
        %while3A_76 = arith.constant 1 : i32
        %while3A_77 = scf.for %while3A_137 = %while3A_69 to %while3A_75 step %while3A_76 iter_args(%while3A_138 = %broadcast_in_dim3A_68) -> (vector<1x128xf32>)  : i32 {
          %add3A_139 = arith.addi %get3A_66, %while3A_137 : i32
          %get3A_140 = arith.index_cast %add3A_139 : i32 to index
          %get3A_141 = memref.load %arg0[%get3A_140] : memref<160000xi32, #tpu.memory_space<smem>>
          %shift_right_arithmetic3A = arith.constant 14 : i32
          %shift_right_arithmetic3A_142 = arith.shrsi %get3A_141, %shift_right_arithmetic3A : i32
          %convert_element_type3A_143 = arith.sitofp %shift_right_arithmetic3A_142 : i32 to f32
          %and3A = arith.constant 16383 : i32
          %and3A_144 = arith.andi %get3A_141, %and3A : i32
          %get3A_145 = arith.index_cast %and3A_144 : i32 to index
          %get3A_146 = arith.constant 0 : index
          %get3A_147 = vector.load %arg13[%get3A_145, %get3A_146] : memref<10000x128xf32, #tpu.memory_space<vmem>>, vector<1x128xf32>
          %mul3A_148 = vector.broadcast %convert_element_type3A_143 : f32 to vector<1x128xf32>
          %mul3A_149 = arith.mulf %mul3A_148, %get3A_147 : vector<1x128xf32>
          %add3A_150 = arith.addf %while3A_138, %mul3A_149 : vector<1x128xf32>
          scf.yield %add3A_150 : vector<1x128xf32>
        }
        %while3A_78 = arith.constant 1 : i32
        %while3A_79 = scf.for %while3A_137 = %while3A_75 to %while3A_71 step %while3A_78 iter_args(%while3A_138 = %while3A_77) -> (vector<1x128xf32>)  : i32 {
          %add3A_139 = arith.addi %get3A_66, %while3A_137 : i32
          %get3A_140 = arith.index_cast %add3A_139 : i32 to index
          %get3A_141 = memref.load %arg0[%get3A_140] : memref<160000xi32, #tpu.memory_space<smem>>
          %shift_right_arithmetic3A = arith.constant 14 : i32
          %shift_right_arithmetic3A_142 = arith.shrsi %get3A_141, %shift_right_arithmetic3A : i32
          %convert_element_type3A_143 = arith.sitofp %shift_right_arithmetic3A_142 : i32 to f32
          %and3A = arith.constant 16383 : i32
          %and3A_144 = arith.andi %get3A_141, %and3A : i32
          %get3A_145 = arith.index_cast %and3A_144 : i32 to index
          %get3A_146 = arith.constant 0 : index
          %get3A_147 = vector.load %arg13[%get3A_145, %get3A_146] : memref<10000x128xf32, #tpu.memory_space<vmem>>, vector<1x128xf32>
          %mul3A_148 = vector.broadcast %convert_element_type3A_143 : f32 to vector<1x128xf32>
          %mul3A_149 = arith.mulf %mul3A_148, %get3A_147 : vector<1x128xf32>
          %add3A_150 = arith.addf %while3A_138, %mul3A_149 : vector<1x128xf32>
          scf.yield %add3A_150 : vector<1x128xf32>
        }
        %get3A_80 = arith.index_cast %get3A_64 : i32 to index
        %get3A_81 = arith.constant 0 : index
        %get3A_82 = vector.load %arg5[%get3A_80, %get3A_81] : memref<10000x128xf32, #tpu.memory_space<vmem>>, vector<1x128xf32>
        %get3A_83 = arith.constant 0 : index
        %get3A_84 = arith.constant 0 : index
        %get3A_85 = vector.load %arg6[%get3A_83, %get3A_84] : memref<128x384xf32, #tpu.memory_space<vmem>>, vector<128x384xf32>
        %dot_general3A_86 = arith.constant dense<0.000000e+00> : vector<1x384xf32>
        %dot_general3A_87 = tpu.matmul %get3A_82, %get3A_85, %dot_general3A_86 {dimension_numbers = #tpu.dot_dimension_numbers<[1], [0], [0], [1], [0, 0, 1, 1], [], []>, transpose_lhs_hint = false} : vector<1x128xf32>, vector<128x384xf32>, vector<1x384xf32> -> vector<1x384xf32>
        %get3A_88 = arith.constant 0 : index
        %get3A_89 = arith.constant 0 : index
        %get3A_90 = vector.load %arg7[%get3A_88, %get3A_89] : memref<1x384xf32, #tpu.memory_space<vmem>>, vector<1x384xf32>
        %add3A_91 = arith.addf %dot_general3A_87, %get3A_90 : vector<1x384xf32>
        %get3A_92 = arith.constant 0 : index
        %get3A_93 = arith.constant 0 : index
        %get3A_94 = vector.load %arg8[%get3A_92, %get3A_93] : memref<128x384xf32, #tpu.memory_space<vmem>>, vector<128x384xf32>
        %dot_general3A_95 = arith.constant dense<0.000000e+00> : vector<1x384xf32>
        %dot_general3A_96 = tpu.matmul %while3A_79, %get3A_94, %dot_general3A_95 {dimension_numbers = #tpu.dot_dimension_numbers<[1], [0], [0], [1], [0, 0, 1, 1], [], []>, transpose_lhs_hint = false} : vector<1x128xf32>, vector<128x384xf32>, vector<1x384xf32> -> vector<1x384xf32>
        %get3A_97 = arith.constant 0 : index
        %get3A_98 = arith.constant 0 : index
        %get3A_99 = vector.load %arg9[%get3A_97, %get3A_98] : memref<1x384xf32, #tpu.memory_space<vmem>>, vector<1x384xf32>
        %add3A_100 = arith.addf %dot_general3A_96, %get3A_99 : vector<1x384xf32>
        %gt3A_101 = arith.constant 0 : i32
        %gt3A_102 = arith.cmpi sgt, %while3A_39, %gt3A_101 : i32
        %jit3A = arith.constant 1.000000e+00 : f32
        %jit3A_103 = arith.constant 0.000000e+00 : f32
        %select_n3A = arith.select %gt3A_102, %jit3A, %jit3A_103 : f32
        %mul3A = vector.broadcast %select_n3A : f32 to vector<1x384xf32>
        %mul3A_104 = arith.mulf %mul3A, %add3A_100 : vector<1x384xf32>
        %add3A_105 = arith.addf %add3A_91, %mul3A_104 : vector<1x384xf32>
        %slice3A = vector.extract_strided_slice %add3A_105 {offsets = [0, 0], sizes = [1, 128], strides = [1, 1]} : vector<1x384xf32> to vector<1x128xf32>
        %mul3A_106 = arith.constant 5.000000e-01 : f32
        %mul3A_107 = vector.broadcast %mul3A_106 : f32 to vector<1x128xf32>
        %mul3A_108 = arith.mulf %mul3A_107, %slice3A : vector<1x128xf32>
        %tanh3A = math.tanh %mul3A_108 : vector<1x128xf32>
        %add3A_109 = arith.constant 1.000000e+00 : f32
        %add3A_110 = vector.broadcast %add3A_109 : f32 to vector<1x128xf32>
        %add3A_111 = arith.addf %tanh3A, %add3A_110 : vector<1x128xf32>
        %mul3A_112 = arith.constant 5.000000e-01 : f32
        %mul3A_113 = vector.broadcast %mul3A_112 : f32 to vector<1x128xf32>
        %mul3A_114 = arith.mulf %mul3A_113, %add3A_111 : vector<1x128xf32>
        %slice3A_115 = vector.extract_strided_slice %add3A_105 {offsets = [0, 128], sizes = [1, 128], strides = [1, 1]} : vector<1x384xf32> to vector<1x128xf32>
        %mul3A_116 = arith.constant 5.000000e-01 : f32
        %mul3A_117 = vector.broadcast %mul3A_116 : f32 to vector<1x128xf32>
        %mul3A_118 = arith.mulf %mul3A_117, %slice3A_115 : vector<1x128xf32>
        %tanh3A_119 = math.tanh %mul3A_118 : vector<1x128xf32>
        %add3A_120 = arith.constant 1.000000e+00 : f32
        %add3A_121 = vector.broadcast %add3A_120 : f32 to vector<1x128xf32>
        %add3A_122 = arith.addf %tanh3A_119, %add3A_121 : vector<1x128xf32>
        %mul3A_123 = arith.constant 5.000000e-01 : f32
        %mul3A_124 = vector.broadcast %mul3A_123 : f32 to vector<1x128xf32>
        %mul3A_125 = arith.mulf %mul3A_124, %add3A_122 : vector<1x128xf32>
        %slice3A_126 = vector.extract_strided_slice %add3A_105 {offsets = [0, 256], sizes = [1, 128], strides = [1, 1]} : vector<1x384xf32> to vector<1x128xf32>
        %tanh3A_127 = math.tanh %slice3A_126 : vector<1x128xf32>
        %mul3A_128 = arith.mulf %mul3A_114, %tanh3A_127 : vector<1x128xf32>
        %swap3A_129 = arith.index_cast %get3A_64 : i32 to index
        %swap3A_130 = arith.constant 0 : index
        %swap3A_131 = vector.load %arg15[%swap3A_129, %swap3A_130] : memref<10000x128xf32, #tpu.memory_space<vmem>>, vector<1x128xf32>
        tpu.vector_store %arg15[%swap3A_129, %swap3A_130], %mul3A_128 {strides = array<i32>} : memref<10000x128xf32, #tpu.memory_space<vmem>>, vector<1x128xf32>,
        %swap3A_132 = arith.index_cast %get3A_64 : i32 to index
        %swap3A_133 = arith.constant 0 : index
        %swap3A_134 = vector.load %arg17[%swap3A_132, %swap3A_133] : memref<10000x128xf32, #tpu.memory_space<vmem>>, vector<1x128xf32>
        tpu.vector_store %arg17[%swap3A_132, %swap3A_133], %mul3A_125 {strides = array<i32>} : memref<10000x128xf32, #tpu.memory_space<vmem>>, vector<1x128xf32>,
        %add3A_135 = arith.constant 1 : i32
        %add3A_136 = arith.addi %while3A_62, %add3A_135 : i32
        scf.yield %add3A_136 : i32
      }
      %gt3A_45 = arith.constant 0 : i32
      %gt3A_46 = arith.cmpi sgt, %while3A_39, %gt3A_45 : i32
      %convert_element_type3A_47 = arith.extui %gt3A_46 : i1 to i32
      %cond3A_48 = arith.constant 0 : i32
      %cond3A_49 = arith.cmpi ne, %convert_element_type3A_47, %cond3A_48 : i32
      %cond3A_50 = scf.if %cond3A_49 -> (i32) {
        %while3A_62 = arith.constant 10000 : i32
        %while3A_63 = arith.constant 0 : i32
        %while3A_64 = arith.subi %while3A_62, %while3A_40 : i32
        %while3A_65 = arith.addi %while3A_40, %while3A_64 : i32
        %while3A_66 = arith.constant 1 : i32
        %while3A_67 = arith.divsi %while3A_64, %while3A_66 : i32
        %while3A_68 = arith.muli %while3A_67, %while3A_66 : i32
        %while3A_69 = arith.addi %while3A_40, %while3A_68 : i32
        %while3A_70 = arith.constant 1 : i32
        %while3A_71 = scf.for %while3A_74 = %while3A_40 to %while3A_69 step %while3A_70 iter_args(%while3A_75 = %while3A_63) -> (i32)  : i32 {
          %get3A_76 = arith.index_cast %while3A_74 : i32 to index
          %get3A_77 = memref.load %arg1[%get3A_76] : memref<10000xi32, #tpu.memory_space<smem>>
          %get3A_78 = arith.index_cast %get3A_77 : i32 to index
          %get3A_79 = arith.constant 0 : index
          %get3A_80 = vector.load %arg15[%get3A_78, %get3A_79] : memref<10000x128xf32, #tpu.memory_space<vmem>>, vector<1x128xf32>
          %sub3A = arith.subi %while3A_74, %while3A_40 : i32
          %get3A_81 = arith.index_cast %sub3A : i32 to index
          %get3A_82 = arith.constant 0 : index
          %get3A_83 = vector.load %arg18[%get3A_81, %get3A_82] : memref<10000x128xf32, #tpu.memory_space<vmem>>, vector<1x128xf32>
          %add3A_84 = arith.addf %get3A_80, %get3A_83 : vector<1x128xf32>
          %swap3A_85 = arith.index_cast %get3A_77 : i32 to index
          %swap3A_86 = arith.constant 0 : index
          %swap3A_87 = vector.load %arg15[%swap3A_85, %swap3A_86] : memref<10000x128xf32, #tpu.memory_space<vmem>>, vector<1x128xf32>
          tpu.vector_store %arg15[%swap3A_85, %swap3A_86], %add3A_84 {strides = array<i32>} : memref<10000x128xf32, #tpu.memory_space<vmem>>, vector<1x128xf32>,
          %while3A_88 = arith.constant 0 : i32
          scf.yield %while3A_88 : i32
        }
        %while3A_72 = arith.constant 1 : i32
        %while3A_73 = scf.for %while3A_74 = %while3A_69 to %while3A_65 step %while3A_72 iter_args(%while3A_75 = %while3A_71) -> (i32)  : i32 {
          %get3A_76 = arith.index_cast %while3A_74 : i32 to index
          %get3A_77 = memref.load %arg1[%get3A_76] : memref<10000xi32, #tpu.memory_space<smem>>
          %get3A_78 = arith.index_cast %get3A_77 : i32 to index
          %get3A_79 = arith.constant 0 : index
          %get3A_80 = vector.load %arg15[%get3A_78, %get3A_79] : memref<10000x128xf32, #tpu.memory_space<vmem>>, vector<1x128xf32>
          %sub3A = arith.subi %while3A_74, %while3A_40 : i32
          %get3A_81 = arith.index_cast %sub3A : i32 to index
          %get3A_82 = arith.constant 0 : index
          %get3A_83 = vector.load %arg18[%get3A_81, %get3A_82] : memref<10000x128xf32, #tpu.memory_space<vmem>>, vector<1x128xf32>
          %add3A_84 = arith.addf %get3A_80, %get3A_83 : vector<1x128xf32>
          %swap3A_85 = arith.index_cast %get3A_77 : i32 to index
          %swap3A_86 = arith.constant 0 : index
          %swap3A_87 = vector.load %arg15[%swap3A_85, %swap3A_86] : memref<10000x128xf32, #tpu.memory_space<vmem>>, vector<1x128xf32>
          tpu.vector_store %arg15[%swap3A_85, %swap3A_86], %add3A_84 {strides = array<i32>} : memref<10000x128xf32, #tpu.memory_space<vmem>>, vector<1x128xf32>,
          %while3A_88 = arith.constant 0 : i32
          scf.yield %while3A_88 : i32
        }
        scf.yield %while3A_73 : i32
      } else {
        %cond3A_62 = arith.constant 0 : i32
        scf.yield %cond3A_62 : i32
      }
      %while3A_51 = arith.constant 0 : i32
      %while3A_52 = arith.subi %while3A_44, %while3A_40 : i32
      %while3A_53 = arith.addi %while3A_40, %while3A_52 : i32
      %while3A_54 = arith.constant 1 : i32
      %while3A_55 = arith.divsi %while3A_52, %while3A_54 : i32
      %while3A_56 = arith.muli %while3A_55, %while3A_54 : i32
      %while3A_57 = arith.addi %while3A_40, %while3A_56 : i32
      %while3A_58 = arith.constant 1 : i32
      %while3A_59 = scf.for %while3A_62 = %while3A_40 to %while3A_57 step %while3A_58 iter_args(%while3A_63 = %while3A_51) -> (i32)  : i32 {
        %get3A_64 = arith.index_cast %while3A_62 : i32 to index
        %get3A_65 = memref.load %arg1[%get3A_64] : memref<10000xi32, #tpu.memory_space<smem>>
        %get3A_66 = arith.index_cast %get3A_65 : i32 to index
        %get3A_67 = arith.constant 0 : index
        %get3A_68 = vector.load %arg17[%get3A_66, %get3A_67] : memref<10000x128xf32, #tpu.memory_space<vmem>>, vector<1x128xf32>
        %get3A_69 = arith.index_cast %get3A_65 : i32 to index
        %get3A_70 = arith.constant 0 : index
        %get3A_71 = vector.load %arg15[%get3A_69, %get3A_70] : memref<10000x128xf32, #tpu.memory_space<vmem>>, vector<1x128xf32>
        %tanh3A = math.tanh %get3A_71 : vector<1x128xf32>
        %mul3A = arith.mulf %get3A_68, %tanh3A : vector<1x128xf32>
        %swap3A_72 = arith.index_cast %get3A_65 : i32 to index
        %swap3A_73 = arith.constant 0 : index
        %swap3A_74 = vector.load %arg13[%swap3A_72, %swap3A_73] : memref<10000x128xf32, #tpu.memory_space<vmem>>, vector<1x128xf32>
        tpu.vector_store %arg13[%swap3A_72, %swap3A_73], %mul3A {strides = array<i32>} : memref<10000x128xf32, #tpu.memory_space<vmem>>, vector<1x128xf32>,
        %get3A_75 = arith.constant 0 : index
        %get3A_76 = arith.constant 0 : index
        %get3A_77 = vector.load %arg12[%get3A_75, %get3A_76] : memref<128x128xf32, #tpu.memory_space<vmem>>, vector<128x128xf32>
        %dot_general3A_78 = arith.constant dense<0.000000e+00> : vector<1x128xf32>
        %dot_general3A_79 = tpu.matmul %mul3A, %get3A_77, %dot_general3A_78 {dimension_numbers = #tpu.dot_dimension_numbers<[1], [0], [0], [1], [0, 0, 1, 1], [], []>, transpose_lhs_hint = false} : vector<1x128xf32>, vector<128x128xf32>, vector<1x128xf32> -> vector<1x128xf32>
        %swap3A_80 = arith.index_cast %get3A_65 : i32 to index
        %swap3A_81 = arith.constant 0 : index
        %swap3A_82 = vector.load %arg16[%swap3A_80, %swap3A_81] : memref<10000x128xf32, #tpu.memory_space<vmem>>, vector<1x128xf32>
        tpu.vector_store %arg16[%swap3A_80, %swap3A_81], %dot_general3A_79 {strides = array<i32>} : memref<10000x128xf32, #tpu.memory_space<vmem>>, vector<1x128xf32>,
        %while3A_83 = arith.constant 0 : i32
        scf.yield %while3A_83 : i32
      }
      %while3A_60 = arith.constant 1 : i32
      %while3A_61 = scf.for %while3A_62 = %while3A_57 to %while3A_53 step %while3A_60 iter_args(%while3A_63 = %while3A_59) -> (i32)  : i32 {
        %get3A_64 = arith.index_cast %while3A_62 : i32 to index
        %get3A_65 = memref.load %arg1[%get3A_64] : memref<10000xi32, #tpu.memory_space<smem>>
        %get3A_66 = arith.index_cast %get3A_65 : i32 to index
        %get3A_67 = arith.constant 0 : index
        %get3A_68 = vector.load %arg17[%get3A_66, %get3A_67] : memref<10000x128xf32, #tpu.memory_space<vmem>>, vector<1x128xf32>
        %get3A_69 = arith.index_cast %get3A_65 : i32 to index
        %get3A_70 = arith.constant 0 : index
        %get3A_71 = vector.load %arg15[%get3A_69, %get3A_70] : memref<10000x128xf32, #tpu.memory_space<vmem>>, vector<1x128xf32>
        %tanh3A = math.tanh %get3A_71 : vector<1x128xf32>
        %mul3A = arith.mulf %get3A_68, %tanh3A : vector<1x128xf32>
        %swap3A_72 = arith.index_cast %get3A_65 : i32 to index
        %swap3A_73 = arith.constant 0 : index
        %swap3A_74 = vector.load %arg13[%swap3A_72, %swap3A_73] : memref<10000x128xf32, #tpu.memory_space<vmem>>, vector<1x128xf32>
        tpu.vector_store %arg13[%swap3A_72, %swap3A_73], %mul3A {strides = array<i32>} : memref<10000x128xf32, #tpu.memory_space<vmem>>, vector<1x128xf32>,
        %get3A_75 = arith.constant 0 : index
        %get3A_76 = arith.constant 0 : index
        %get3A_77 = vector.load %arg12[%get3A_75, %get3A_76] : memref<128x128xf32, #tpu.memory_space<vmem>>, vector<128x128xf32>
        %dot_general3A_78 = arith.constant dense<0.000000e+00> : vector<1x128xf32>
        %dot_general3A_79 = tpu.matmul %mul3A, %get3A_77, %dot_general3A_78 {dimension_numbers = #tpu.dot_dimension_numbers<[1], [0], [0], [1], [0, 0, 1, 1], [], []>, transpose_lhs_hint = false} : vector<1x128xf32>, vector<128x128xf32>, vector<1x128xf32> -> vector<1x128xf32>
        %swap3A_80 = arith.index_cast %get3A_65 : i32 to index
        %swap3A_81 = arith.constant 0 : index
        %swap3A_82 = vector.load %arg16[%swap3A_80, %swap3A_81] : memref<10000x128xf32, #tpu.memory_space<vmem>>, vector<1x128xf32>
        tpu.vector_store %arg16[%swap3A_80, %swap3A_81], %dot_general3A_79 {strides = array<i32>} : memref<10000x128xf32, #tpu.memory_space<vmem>>, vector<1x128xf32>,
        %while3A_83 = arith.constant 0 : i32
        scf.yield %while3A_83 : i32
      }
      scf.yield %while3A_44 : i32
    }
    %while3A_37 = arith.constant 1 : i32
    %while3A_38 = scf.for %while3A_39 = %while3A_34 to %while3A_30 step %while3A_37 iter_args(%while3A_40 = %while3A_36) -> (i32)  : i32 {
      %gt3A = arith.constant 0 : i32
      %gt3A_41 = arith.cmpi sgt, %while3A_39, %gt3A : i32
      %convert_element_type3A = arith.extui %gt3A_41 : i1 to i32
      %cond3A = arith.constant 0 : i32
      %cond3A_42 = arith.cmpi ne, %convert_element_type3A, %cond3A : i32
      %cond3A_43 = scf.if %cond3A_42 -> (i32) {
        %while3A_62 = arith.constant 10000 : i32
        %while3A_63 = arith.constant 0 : i32
        %while3A_64 = arith.subi %while3A_62, %while3A_40 : i32
        %while3A_65 = arith.addi %while3A_40, %while3A_64 : i32
        %while3A_66 = arith.constant 1 : i32
        %while3A_67 = arith.divsi %while3A_64, %while3A_66 : i32
        %while3A_68 = arith.muli %while3A_67, %while3A_66 : i32
        %while3A_69 = arith.addi %while3A_40, %while3A_68 : i32
        %while3A_70 = arith.constant 1 : i32
        %while3A_71 = scf.for %while3A_74 = %while3A_40 to %while3A_69 step %while3A_70 iter_args(%while3A_75 = %while3A_63) -> (i32)  : i32 {
          %get3A_76 = arith.index_cast %while3A_74 : i32 to index
          %get3A_77 = memref.load %arg1[%get3A_76] : memref<10000xi32, #tpu.memory_space<smem>>
          %get3A_78 = arith.index_cast %while3A_74 : i32 to index
          %get3A_79 = memref.load %arg3[%get3A_78] : memref<10000xi32, #tpu.memory_space<smem>>
          %sub3A = arith.constant 1 : i32
          %sub3A_80 = arith.subi %while3A_39, %sub3A : i32
          %add3A_81 = arith.addi %get3A_79, %sub3A_80 : i32
          %get3A_82 = arith.index_cast %add3A_81 : i32 to index
          %get3A_83 = memref.load %arg0[%get3A_82] : memref<160000xi32, #tpu.memory_space<smem>>
          %and3A = arith.constant 16383 : i32
          %and3A_84 = arith.andi %get3A_83, %and3A : i32
          %get3A_85 = arith.index_cast %get3A_77 : i32 to index
          %get3A_86 = arith.constant 0 : index
          %get3A_87 = vector.load %arg14[%get3A_85, %get3A_86] : memref<10000x128xf32, #tpu.memory_space<vmem>>, vector<1x128xf32>
          %get3A_88 = arith.index_cast %and3A_84 : i32 to index
          %get3A_89 = arith.constant 0 : index
          %get3A_90 = vector.load %arg16[%get3A_88, %get3A_89] : memref<10000x128xf32, #tpu.memory_space<vmem>>, vector<1x128xf32>
          %add3A_91 = arith.addf %get3A_87, %get3A_90 : vector<1x128xf32>
          %mul3A = arith.constant 5.000000e-01 : f32
          %mul3A_92 = vector.broadcast %mul3A : f32 to vector<1x128xf32>
          %mul3A_93 = arith.mulf %mul3A_92, %add3A_91 : vector<1x128xf32>
          %tanh3A = math.tanh %mul3A_93 : vector<1x128xf32>
          %add3A_94 = arith.constant 1.000000e+00 : f32
          %add3A_95 = vector.broadcast %add3A_94 : f32 to vector<1x128xf32>
          %add3A_96 = arith.addf %tanh3A, %add3A_95 : vector<1x128xf32>
          %mul3A_97 = arith.constant 5.000000e-01 : f32
          %mul3A_98 = vector.broadcast %mul3A_97 : f32 to vector<1x128xf32>
          %mul3A_99 = arith.mulf %mul3A_98, %add3A_96 : vector<1x128xf32>
          %get3A_100 = arith.index_cast %and3A_84 : i32 to index
          %get3A_101 = arith.constant 0 : index
          %get3A_102 = vector.load %arg15[%get3A_100, %get3A_101] : memref<10000x128xf32, #tpu.memory_space<vmem>>, vector<1x128xf32>
          %mul3A_103 = arith.mulf %mul3A_99, %get3A_102 : vector<1x128xf32>
          %sub3A_104 = arith.subi %while3A_74, %while3A_40 : i32
          %swap3A_105 = arith.index_cast %sub3A_104 : i32 to index
          %swap3A_106 = arith.constant 0 : index
          %swap3A_107 = vector.load %arg18[%swap3A_105, %swap3A_106] : memref<10000x128xf32, #tpu.memory_space<vmem>>, vector<1x128xf32>
          tpu.vector_store %arg18[%swap3A_105, %swap3A_106], %mul3A_103 {strides = array<i32>} : memref<10000x128xf32, #tpu.memory_space<vmem>>, vector<1x128xf32>,
          %while3A_108 = arith.constant 0 : i32
          scf.yield %while3A_108 : i32
        }
        %while3A_72 = arith.constant 1 : i32
        %while3A_73 = scf.for %while3A_74 = %while3A_69 to %while3A_65 step %while3A_72 iter_args(%while3A_75 = %while3A_71) -> (i32)  : i32 {
          %get3A_76 = arith.index_cast %while3A_74 : i32 to index
          %get3A_77 = memref.load %arg1[%get3A_76] : memref<10000xi32, #tpu.memory_space<smem>>
          %get3A_78 = arith.index_cast %while3A_74 : i32 to index
          %get3A_79 = memref.load %arg3[%get3A_78] : memref<10000xi32, #tpu.memory_space<smem>>
          %sub3A = arith.constant 1 : i32
          %sub3A_80 = arith.subi %while3A_39, %sub3A : i32
          %add3A_81 = arith.addi %get3A_79, %sub3A_80 : i32
          %get3A_82 = arith.index_cast %add3A_81 : i32 to index
          %get3A_83 = memref.load %arg0[%get3A_82] : memref<160000xi32, #tpu.memory_space<smem>>
          %and3A = arith.constant 16383 : i32
          %and3A_84 = arith.andi %get3A_83, %and3A : i32
          %get3A_85 = arith.index_cast %get3A_77 : i32 to index
          %get3A_86 = arith.constant 0 : index
          %get3A_87 = vector.load %arg14[%get3A_85, %get3A_86] : memref<10000x128xf32, #tpu.memory_space<vmem>>, vector<1x128xf32>
          %get3A_88 = arith.index_cast %and3A_84 : i32 to index
          %get3A_89 = arith.constant 0 : index
          %get3A_90 = vector.load %arg16[%get3A_88, %get3A_89] : memref<10000x128xf32, #tpu.memory_space<vmem>>, vector<1x128xf32>
          %add3A_91 = arith.addf %get3A_87, %get3A_90 : vector<1x128xf32>
          %mul3A = arith.constant 5.000000e-01 : f32
          %mul3A_92 = vector.broadcast %mul3A : f32 to vector<1x128xf32>
          %mul3A_93 = arith.mulf %mul3A_92, %add3A_91 : vector<1x128xf32>
          %tanh3A = math.tanh %mul3A_93 : vector<1x128xf32>
          %add3A_94 = arith.constant 1.000000e+00 : f32
          %add3A_95 = vector.broadcast %add3A_94 : f32 to vector<1x128xf32>
          %add3A_96 = arith.addf %tanh3A, %add3A_95 : vector<1x128xf32>
          %mul3A_97 = arith.constant 5.000000e-01 : f32
          %mul3A_98 = vector.broadcast %mul3A_97 : f32 to vector<1x128xf32>
          %mul3A_99 = arith.mulf %mul3A_98, %add3A_96 : vector<1x128xf32>
          %get3A_100 = arith.index_cast %and3A_84 : i32 to index
          %get3A_101 = arith.constant 0 : index
          %get3A_102 = vector.load %arg15[%get3A_100, %get3A_101] : memref<10000x128xf32, #tpu.memory_space<vmem>>, vector<1x128xf32>
          %mul3A_103 = arith.mulf %mul3A_99, %get3A_102 : vector<1x128xf32>
          %sub3A_104 = arith.subi %while3A_74, %while3A_40 : i32
          %swap3A_105 = arith.index_cast %sub3A_104 : i32 to index
          %swap3A_106 = arith.constant 0 : index
          %swap3A_107 = vector.load %arg18[%swap3A_105, %swap3A_106] : memref<10000x128xf32, #tpu.memory_space<vmem>>, vector<1x128xf32>
          tpu.vector_store %arg18[%swap3A_105, %swap3A_106], %mul3A_103 {strides = array<i32>} : memref<10000x128xf32, #tpu.memory_space<vmem>>, vector<1x128xf32>,
          %while3A_108 = arith.constant 0 : i32
          scf.yield %while3A_108 : i32
        }
        scf.yield %while3A_73 : i32
      } else {
        %cond3A_62 = arith.constant 0 : i32
        scf.yield %cond3A_62 : i32
      }
      %while3A_44 = scf.while (%while3A_62 = %while3A_40) : (i32) -> i32 {
        %lt3A = arith.constant 10000 : i32
        %lt3A_63 = arith.cmpi slt, %while3A_62, %lt3A : i32
        %min3A = arith.constant 9999 : i32
        %min3A_64 = arith.minsi %while3A_62, %min3A : i32
        %get3A_65 = arith.index_cast %min3A_64 : i32 to index
        %get3A_66 = memref.load %arg2[%get3A_65] : memref<10000xi32, #tpu.memory_space<smem>>
        %eq3A = arith.cmpi eq, %get3A_66, %while3A_39 : i32
        %and3A = arith.andi %lt3A_63, %eq3A : i1
        scf.condition(%and3A) %while3A_62 : i32
      } do {
      ^bb0(%while3A_62: i32):
        %get3A_63 = arith.index_cast %while3A_62 : i32 to index
        %get3A_64 = memref.load %arg1[%get3A_63] : memref<10000xi32, #tpu.memory_space<smem>>
        %get3A_65 = arith.index_cast %while3A_62 : i32 to index
        %get3A_66 = memref.load %arg3[%get3A_65] : memref<10000xi32, #tpu.memory_space<smem>>
        %broadcast_in_dim3A_67 = arith.constant 0.000000e+00 : f32
        %broadcast_in_dim3A_68 = vector.broadcast %broadcast_in_dim3A_67 : f32 to vector<1x128xf32>
        %while3A_69 = arith.constant 0 : i32
        %while3A_70 = arith.subi %while3A_39, %while3A_69 : i32
        %while3A_71 = arith.addi %while3A_69, %while3A_70 : i32
        %while3A_72 = arith.constant 1 : i32
        %while3A_73 = arith.divsi %while3A_70, %while3A_72 : i32
        %while3A_74 = arith.muli %while3A_73, %while3A_72 : i32
        %while3A_75 = arith.addi %while3A_69, %while3A_74 : i32
        %while3A_76 = arith.constant 1 : i32
        %while3A_77 = scf.for %while3A_137 = %while3A_69 to %while3A_75 step %while3A_76 iter_args(%while3A_138 = %broadcast_in_dim3A_68) -> (vector<1x128xf32>)  : i32 {
          %add3A_139 = arith.addi %get3A_66, %while3A_137 : i32
          %get3A_140 = arith.index_cast %add3A_139 : i32 to index
          %get3A_141 = memref.load %arg0[%get3A_140] : memref<160000xi32, #tpu.memory_space<smem>>
          %shift_right_arithmetic3A = arith.constant 14 : i32
          %shift_right_arithmetic3A_142 = arith.shrsi %get3A_141, %shift_right_arithmetic3A : i32
          %convert_element_type3A_143 = arith.sitofp %shift_right_arithmetic3A_142 : i32 to f32
          %and3A = arith.constant 16383 : i32
          %and3A_144 = arith.andi %get3A_141, %and3A : i32
          %get3A_145 = arith.index_cast %and3A_144 : i32 to index
          %get3A_146 = arith.constant 0 : index
          %get3A_147 = vector.load %arg13[%get3A_145, %get3A_146] : memref<10000x128xf32, #tpu.memory_space<vmem>>, vector<1x128xf32>
          %mul3A_148 = vector.broadcast %convert_element_type3A_143 : f32 to vector<1x128xf32>
          %mul3A_149 = arith.mulf %mul3A_148, %get3A_147 : vector<1x128xf32>
          %add3A_150 = arith.addf %while3A_138, %mul3A_149 : vector<1x128xf32>
          scf.yield %add3A_150 : vector<1x128xf32>
        }
        %while3A_78 = arith.constant 1 : i32
        %while3A_79 = scf.for %while3A_137 = %while3A_75 to %while3A_71 step %while3A_78 iter_args(%while3A_138 = %while3A_77) -> (vector<1x128xf32>)  : i32 {
          %add3A_139 = arith.addi %get3A_66, %while3A_137 : i32
          %get3A_140 = arith.index_cast %add3A_139 : i32 to index
          %get3A_141 = memref.load %arg0[%get3A_140] : memref<160000xi32, #tpu.memory_space<smem>>
          %shift_right_arithmetic3A = arith.constant 14 : i32
          %shift_right_arithmetic3A_142 = arith.shrsi %get3A_141, %shift_right_arithmetic3A : i32
          %convert_element_type3A_143 = arith.sitofp %shift_right_arithmetic3A_142 : i32 to f32
          %and3A = arith.constant 16383 : i32
          %and3A_144 = arith.andi %get3A_141, %and3A : i32
          %get3A_145 = arith.index_cast %and3A_144 : i32 to index
          %get3A_146 = arith.constant 0 : index
          %get3A_147 = vector.load %arg13[%get3A_145, %get3A_146] : memref<10000x128xf32, #tpu.memory_space<vmem>>, vector<1x128xf32>
          %mul3A_148 = vector.broadcast %convert_element_type3A_143 : f32 to vector<1x128xf32>
          %mul3A_149 = arith.mulf %mul3A_148, %get3A_147 : vector<1x128xf32>
          %add3A_150 = arith.addf %while3A_138, %mul3A_149 : vector<1x128xf32>
          scf.yield %add3A_150 : vector<1x128xf32>
        }
        %get3A_80 = arith.index_cast %get3A_64 : i32 to index
        %get3A_81 = arith.constant 0 : index
        %get3A_82 = vector.load %arg5[%get3A_80, %get3A_81] : memref<10000x128xf32, #tpu.memory_space<vmem>>, vector<1x128xf32>
        %get3A_83 = arith.constant 0 : index
        %get3A_84 = arith.constant 0 : index
        %get3A_85 = vector.load %arg6[%get3A_83, %get3A_84] : memref<128x384xf32, #tpu.memory_space<vmem>>, vector<128x384xf32>
        %dot_general3A_86 = arith.constant dense<0.000000e+00> : vector<1x384xf32>
        %dot_general3A_87 = tpu.matmul %get3A_82, %get3A_85, %dot_general3A_86 {dimension_numbers = #tpu.dot_dimension_numbers<[1], [0], [0], [1], [0, 0, 1, 1], [], []>, transpose_lhs_hint = false} : vector<1x128xf32>, vector<128x384xf32>, vector<1x384xf32> -> vector<1x384xf32>
        %get3A_88 = arith.constant 0 : index
        %get3A_89 = arith.constant 0 : index
        %get3A_90 = vector.load %arg7[%get3A_88, %get3A_89] : memref<1x384xf32, #tpu.memory_space<vmem>>, vector<1x384xf32>
        %add3A_91 = arith.addf %dot_general3A_87, %get3A_90 : vector<1x384xf32>
        %get3A_92 = arith.constant 0 : index
        %get3A_93 = arith.constant 0 : index
        %get3A_94 = vector.load %arg8[%get3A_92, %get3A_93] : memref<128x384xf32, #tpu.memory_space<vmem>>, vector<128x384xf32>
        %dot_general3A_95 = arith.constant dense<0.000000e+00> : vector<1x384xf32>
        %dot_general3A_96 = tpu.matmul %while3A_79, %get3A_94, %dot_general3A_95 {dimension_numbers = #tpu.dot_dimension_numbers<[1], [0], [0], [1], [0, 0, 1, 1], [], []>, transpose_lhs_hint = false} : vector<1x128xf32>, vector<128x384xf32>, vector<1x384xf32> -> vector<1x384xf32>
        %get3A_97 = arith.constant 0 : index
        %get3A_98 = arith.constant 0 : index
        %get3A_99 = vector.load %arg9[%get3A_97, %get3A_98] : memref<1x384xf32, #tpu.memory_space<vmem>>, vector<1x384xf32>
        %add3A_100 = arith.addf %dot_general3A_96, %get3A_99 : vector<1x384xf32>
        %gt3A_101 = arith.constant 0 : i32
        %gt3A_102 = arith.cmpi sgt, %while3A_39, %gt3A_101 : i32
        %jit3A = arith.constant 1.000000e+00 : f32
        %jit3A_103 = arith.constant 0.000000e+00 : f32
        %select_n3A = arith.select %gt3A_102, %jit3A, %jit3A_103 : f32
        %mul3A = vector.broadcast %select_n3A : f32 to vector<1x384xf32>
        %mul3A_104 = arith.mulf %mul3A, %add3A_100 : vector<1x384xf32>
        %add3A_105 = arith.addf %add3A_91, %mul3A_104 : vector<1x384xf32>
        %slice3A = vector.extract_strided_slice %add3A_105 {offsets = [0, 0], sizes = [1, 128], strides = [1, 1]} : vector<1x384xf32> to vector<1x128xf32>
        %mul3A_106 = arith.constant 5.000000e-01 : f32
        %mul3A_107 = vector.broadcast %mul3A_106 : f32 to vector<1x128xf32>
        %mul3A_108 = arith.mulf %mul3A_107, %slice3A : vector<1x128xf32>
        %tanh3A = math.tanh %mul3A_108 : vector<1x128xf32>
        %add3A_109 = arith.constant 1.000000e+00 : f32
        %add3A_110 = vector.broadcast %add3A_109 : f32 to vector<1x128xf32>
        %add3A_111 = arith.addf %tanh3A, %add3A_110 : vector<1x128xf32>
        %mul3A_112 = arith.constant 5.000000e-01 : f32
        %mul3A_113 = vector.broadcast %mul3A_112 : f32 to vector<1x128xf32>
        %mul3A_114 = arith.mulf %mul3A_113, %add3A_111 : vector<1x128xf32>
        %slice3A_115 = vector.extract_strided_slice %add3A_105 {offsets = [0, 128], sizes = [1, 128], strides = [1, 1]} : vector<1x384xf32> to vector<1x128xf32>
        %mul3A_116 = arith.constant 5.000000e-01 : f32
        %mul3A_117 = vector.broadcast %mul3A_116 : f32 to vector<1x128xf32>
        %mul3A_118 = arith.mulf %mul3A_117, %slice3A_115 : vector<1x128xf32>
        %tanh3A_119 = math.tanh %mul3A_118 : vector<1x128xf32>
        %add3A_120 = arith.constant 1.000000e+00 : f32
        %add3A_121 = vector.broadcast %add3A_120 : f32 to vector<1x128xf32>
        %add3A_122 = arith.addf %tanh3A_119, %add3A_121 : vector<1x128xf32>
        %mul3A_123 = arith.constant 5.000000e-01 : f32
        %mul3A_124 = vector.broadcast %mul3A_123 : f32 to vector<1x128xf32>
        %mul3A_125 = arith.mulf %mul3A_124, %add3A_122 : vector<1x128xf32>
        %slice3A_126 = vector.extract_strided_slice %add3A_105 {offsets = [0, 256], sizes = [1, 128], strides = [1, 1]} : vector<1x384xf32> to vector<1x128xf32>
        %tanh3A_127 = math.tanh %slice3A_126 : vector<1x128xf32>
        %mul3A_128 = arith.mulf %mul3A_114, %tanh3A_127 : vector<1x128xf32>
        %swap3A_129 = arith.index_cast %get3A_64 : i32 to index
        %swap3A_130 = arith.constant 0 : index
        %swap3A_131 = vector.load %arg15[%swap3A_129, %swap3A_130] : memref<10000x128xf32, #tpu.memory_space<vmem>>, vector<1x128xf32>
        tpu.vector_store %arg15[%swap3A_129, %swap3A_130], %mul3A_128 {strides = array<i32>} : memref<10000x128xf32, #tpu.memory_space<vmem>>, vector<1x128xf32>,
        %swap3A_132 = arith.index_cast %get3A_64 : i32 to index
        %swap3A_133 = arith.constant 0 : index
        %swap3A_134 = vector.load %arg17[%swap3A_132, %swap3A_133] : memref<10000x128xf32, #tpu.memory_space<vmem>>, vector<1x128xf32>
        tpu.vector_store %arg17[%swap3A_132, %swap3A_133], %mul3A_125 {strides = array<i32>} : memref<10000x128xf32, #tpu.memory_space<vmem>>, vector<1x128xf32>,
        %add3A_135 = arith.constant 1 : i32
        %add3A_136 = arith.addi %while3A_62, %add3A_135 : i32
        scf.yield %add3A_136 : i32
      }
      %gt3A_45 = arith.constant 0 : i32
      %gt3A_46 = arith.cmpi sgt, %while3A_39, %gt3A_45 : i32
      %convert_element_type3A_47 = arith.extui %gt3A_46 : i1 to i32
      %cond3A_48 = arith.constant 0 : i32
      %cond3A_49 = arith.cmpi ne, %convert_element_type3A_47, %cond3A_48 : i32
      %cond3A_50 = scf.if %cond3A_49 -> (i32) {
        %while3A_62 = arith.constant 10000 : i32
        %while3A_63 = arith.constant 0 : i32
        %while3A_64 = arith.subi %while3A_62, %while3A_40 : i32
        %while3A_65 = arith.addi %while3A_40, %while3A_64 : i32
        %while3A_66 = arith.constant 1 : i32
        %while3A_67 = arith.divsi %while3A_64, %while3A_66 : i32
        %while3A_68 = arith.muli %while3A_67, %while3A_66 : i32
        %while3A_69 = arith.addi %while3A_40, %while3A_68 : i32
        %while3A_70 = arith.constant 1 : i32
        %while3A_71 = scf.for %while3A_74 = %while3A_40 to %while3A_69 step %while3A_70 iter_args(%while3A_75 = %while3A_63) -> (i32)  : i32 {
          %get3A_76 = arith.index_cast %while3A_74 : i32 to index
          %get3A_77 = memref.load %arg1[%get3A_76] : memref<10000xi32, #tpu.memory_space<smem>>
          %get3A_78 = arith.index_cast %get3A_77 : i32 to index
          %get3A_79 = arith.constant 0 : index
          %get3A_80 = vector.load %arg15[%get3A_78, %get3A_79] : memref<10000x128xf32, #tpu.memory_space<vmem>>, vector<1x128xf32>
          %sub3A = arith.subi %while3A_74, %while3A_40 : i32
          %get3A_81 = arith.index_cast %sub3A : i32 to index
          %get3A_82 = arith.constant 0 : index
          %get3A_83 = vector.load %arg18[%get3A_81, %get3A_82] : memref<10000x128xf32, #tpu.memory_space<vmem>>, vector<1x128xf32>
          %add3A_84 = arith.addf %get3A_80, %get3A_83 : vector<1x128xf32>
          %swap3A_85 = arith.index_cast %get3A_77 : i32 to index
          %swap3A_86 = arith.constant 0 : index
          %swap3A_87 = vector.load %arg15[%swap3A_85, %swap3A_86] : memref<10000x128xf32, #tpu.memory_space<vmem>>, vector<1x128xf32>
          tpu.vector_store %arg15[%swap3A_85, %swap3A_86], %add3A_84 {strides = array<i32>} : memref<10000x128xf32, #tpu.memory_space<vmem>>, vector<1x128xf32>,
          %while3A_88 = arith.constant 0 : i32
          scf.yield %while3A_88 : i32
        }
        %while3A_72 = arith.constant 1 : i32
        %while3A_73 = scf.for %while3A_74 = %while3A_69 to %while3A_65 step %while3A_72 iter_args(%while3A_75 = %while3A_71) -> (i32)  : i32 {
          %get3A_76 = arith.index_cast %while3A_74 : i32 to index
          %get3A_77 = memref.load %arg1[%get3A_76] : memref<10000xi32, #tpu.memory_space<smem>>
          %get3A_78 = arith.index_cast %get3A_77 : i32 to index
          %get3A_79 = arith.constant 0 : index
          %get3A_80 = vector.load %arg15[%get3A_78, %get3A_79] : memref<10000x128xf32, #tpu.memory_space<vmem>>, vector<1x128xf32>
          %sub3A = arith.subi %while3A_74, %while3A_40 : i32
          %get3A_81 = arith.index_cast %sub3A : i32 to index
          %get3A_82 = arith.constant 0 : index
          %get3A_83 = vector.load %arg18[%get3A_81, %get3A_82] : memref<10000x128xf32, #tpu.memory_space<vmem>>, vector<1x128xf32>
          %add3A_84 = arith.addf %get3A_80, %get3A_83 : vector<1x128xf32>
          %swap3A_85 = arith.index_cast %get3A_77 : i32 to index
          %swap3A_86 = arith.constant 0 : index
          %swap3A_87 = vector.load %arg15[%swap3A_85, %swap3A_86] : memref<10000x128xf32, #tpu.memory_space<vmem>>, vector<1x128xf32>
          tpu.vector_store %arg15[%swap3A_85, %swap3A_86], %add3A_84 {strides = array<i32>} : memref<10000x128xf32, #tpu.memory_space<vmem>>, vector<1x128xf32>,
          %while3A_88 = arith.constant 0 : i32
          scf.yield %while3A_88 : i32
        }
        scf.yield %while3A_73 : i32
      } else {
        %cond3A_62 = arith.constant 0 : i32
        scf.yield %cond3A_62 : i32
      }
      %while3A_51 = arith.constant 0 : i32
      %while3A_52 = arith.subi %while3A_44, %while3A_40 : i32
      %while3A_53 = arith.addi %while3A_40, %while3A_52 : i32
      %while3A_54 = arith.constant 1 : i32
      %while3A_55 = arith.divsi %while3A_52, %while3A_54 : i32
      %while3A_56 = arith.muli %while3A_55, %while3A_54 : i32
      %while3A_57 = arith.addi %while3A_40, %while3A_56 : i32
      %while3A_58 = arith.constant 1 : i32
      %while3A_59 = scf.for %while3A_62 = %while3A_40 to %while3A_57 step %while3A_58 iter_args(%while3A_63 = %while3A_51) -> (i32)  : i32 {
        %get3A_64 = arith.index_cast %while3A_62 : i32 to index
        %get3A_65 = memref.load %arg1[%get3A_64] : memref<10000xi32, #tpu.memory_space<smem>>
        %get3A_66 = arith.index_cast %get3A_65 : i32 to index
        %get3A_67 = arith.constant 0 : index
        %get3A_68 = vector.load %arg17[%get3A_66, %get3A_67] : memref<10000x128xf32, #tpu.memory_space<vmem>>, vector<1x128xf32>
        %get3A_69 = arith.index_cast %get3A_65 : i32 to index
        %get3A_70 = arith.constant 0 : index
        %get3A_71 = vector.load %arg15[%get3A_69, %get3A_70] : memref<10000x128xf32, #tpu.memory_space<vmem>>, vector<1x128xf32>
        %tanh3A = math.tanh %get3A_71 : vector<1x128xf32>
        %mul3A = arith.mulf %get3A_68, %tanh3A : vector<1x128xf32>
        %swap3A_72 = arith.index_cast %get3A_65 : i32 to index
        %swap3A_73 = arith.constant 0 : index
        %swap3A_74 = vector.load %arg13[%swap3A_72, %swap3A_73] : memref<10000x128xf32, #tpu.memory_space<vmem>>, vector<1x128xf32>
        tpu.vector_store %arg13[%swap3A_72, %swap3A_73], %mul3A {strides = array<i32>} : memref<10000x128xf32, #tpu.memory_space<vmem>>, vector<1x128xf32>,
        %get3A_75 = arith.constant 0 : index
        %get3A_76 = arith.constant 0 : index
        %get3A_77 = vector.load %arg12[%get3A_75, %get3A_76] : memref<128x128xf32, #tpu.memory_space<vmem>>, vector<128x128xf32>
        %dot_general3A_78 = arith.constant dense<0.000000e+00> : vector<1x128xf32>
        %dot_general3A_79 = tpu.matmul %mul3A, %get3A_77, %dot_general3A_78 {dimension_numbers = #tpu.dot_dimension_numbers<[1], [0], [0], [1], [0, 0, 1, 1], [], []>, transpose_lhs_hint = false} : vector<1x128xf32>, vector<128x128xf32>, vector<1x128xf32> -> vector<1x128xf32>
        %swap3A_80 = arith.index_cast %get3A_65 : i32 to index
        %swap3A_81 = arith.constant 0 : index
        %swap3A_82 = vector.load %arg16[%swap3A_80, %swap3A_81] : memref<10000x128xf32, #tpu.memory_space<vmem>>, vector<1x128xf32>
        tpu.vector_store %arg16[%swap3A_80, %swap3A_81], %dot_general3A_79 {strides = array<i32>} : memref<10000x128xf32, #tpu.memory_space<vmem>>, vector<1x128xf32>,
        %while3A_83 = arith.constant 0 : i32
        scf.yield %while3A_83 : i32
      }
      %while3A_60 = arith.constant 1 : i32
      %while3A_61 = scf.for %while3A_62 = %while3A_57 to %while3A_53 step %while3A_60 iter_args(%while3A_63 = %while3A_59) -> (i32)  : i32 {
        %get3A_64 = arith.index_cast %while3A_62 : i32 to index
        %get3A_65 = memref.load %arg1[%get3A_64] : memref<10000xi32, #tpu.memory_space<smem>>
        %get3A_66 = arith.index_cast %get3A_65 : i32 to index
        %get3A_67 = arith.constant 0 : index
        %get3A_68 = vector.load %arg17[%get3A_66, %get3A_67] : memref<10000x128xf32, #tpu.memory_space<vmem>>, vector<1x128xf32>
        %get3A_69 = arith.index_cast %get3A_65 : i32 to index
        %get3A_70 = arith.constant 0 : index
        %get3A_71 = vector.load %arg15[%get3A_69, %get3A_70] : memref<10000x128xf32, #tpu.memory_space<vmem>>, vector<1x128xf32>
        %tanh3A = math.tanh %get3A_71 : vector<1x128xf32>
        %mul3A = arith.mulf %get3A_68, %tanh3A : vector<1x128xf32>
        %swap3A_72 = arith.index_cast %get3A_65 : i32 to index
        %swap3A_73 = arith.constant 0 : index
        %swap3A_74 = vector.load %arg13[%swap3A_72, %swap3A_73] : memref<10000x128xf32, #tpu.memory_space<vmem>>, vector<1x128xf32>
        tpu.vector_store %arg13[%swap3A_72, %swap3A_73], %mul3A {strides = array<i32>} : memref<10000x128xf32, #tpu.memory_space<vmem>>, vector<1x128xf32>,
        %get3A_75 = arith.constant 0 : index
        %get3A_76 = arith.constant 0 : index
        %get3A_77 = vector.load %arg12[%get3A_75, %get3A_76] : memref<128x128xf32, #tpu.memory_space<vmem>>, vector<128x128xf32>
        %dot_general3A_78 = arith.constant dense<0.000000e+00> : vector<1x128xf32>
        %dot_general3A_79 = tpu.matmul %mul3A, %get3A_77, %dot_general3A_78 {dimension_numbers = #tpu.dot_dimension_numbers<[1], [0], [0], [1], [0, 0, 1, 1], [], []>, transpose_lhs_hint = false} : vector<1x128xf32>, vector<128x128xf32>, vector<1x128xf32> -> vector<1x128xf32>
        %swap3A_80 = arith.index_cast %get3A_65 : i32 to index
        %swap3A_81 = arith.constant 0 : index
        %swap3A_82 = vector.load %arg16[%swap3A_80, %swap3A_81] : memref<10000x128xf32, #tpu.memory_space<vmem>>, vector<1x128xf32>
        tpu.vector_store %arg16[%swap3A_80, %swap3A_81], %dot_general3A_79 {strides = array<i32>} : memref<10000x128xf32, #tpu.memory_space<vmem>>, vector<1x128xf32>,
        %while3A_83 = arith.constant 0 : i32
        scf.yield %while3A_83 : i32
      }
      scf.yield %while3A_44 : i32
    }
    return
  }
}

</mosaic_0001>

<sc_bundles>
// kernel: gather_offload_async_start.1
scs
__scs_entry_jumppad:
0x0: {  	(pc) =	sbr.rel $0x88, $3  }
0x1: {  	(tag) =	ssettag $0x0;
	lr =	simm.s32 $0x1  }
0x2: {  	[smem:$0x3F97] =	sst lr;
	_ =	strace $0xD0000000  }
0x3: {  	_ = 	snop  }
0x4: {  	_ = 	snop  }
0x5: {  	_ = 	snop  }
0x6: {  	_ = 	snop  }
0x7: {  	_ = 	snop  }
__scs_overlays_trampoline_lowered:
0x8: {  	[smem:$0x3FA6] =	sst s0  }
0x9: {  	[smem:$0x3FA7] =	sst s1  }
0xa: {  	[smem:$0x3FA8] =	sst s2  }
0xb: {  	[smem:$0x3FA9] =	sst s3  }
0xc: {  	[smem:$0x3FAA] =	sst s4  }
0xd: {  	[smem:$0x3FAB] =	sst s5  }
0xe: {  	[smem:$0x3FAC] =	sst s6  }
0xf: {  	[smem:$0x3FAD] =	sst s7  }
0x10: {  	[smem:$0x3FAE] =	sst s8  }
0x11: {  	[smem:$0x3FAF] =	sst s9;
	s0 =	simm.s32 @!p0 $0x0  }
0x12: {  	s1 =	sld [smem:$0x3F95];
	s0 =	simm.s32 @p0 $0x1  }
0x13: {  	[smem:$0x3FB0] =	sst s0;
	s0 =	simm.s32 @!p1 $0x0  }
0x14: {  	s2 =	sld [smem:$0x3F94];
	s0 =	simm.s32 @p1 $0x1  }
0x15: {  	[smem:$0x3FB1] =	sst s0;
	s0 =	simm.s32 @!p2 $0x0  }
0x16: {  	s3 =	sld [smem:$0x3FDB];
	s0 =	simm.s32 @p2 $0x1  }
0x17: {  	s4 =	simm.s32 $0x1BF5;
	[smem:$0x3FB3] =	sst s0  }
0x18: {  	s0 =	sld [smem:$0x3F96];
	_ =	swait.ge [sflag:s4], $0x0  }
0x19: {  	s7 =	sld [smem:$0x3F97]  }
0x1a: {  	s8 =	sadd.s32 $0xFFFFE003, lr  }
0x1b: {  	s9 =	sadd.s32 $0xFFFFFEF7, lr;
	s5 =	simm.s32 $0xFFFFFFFF;
	p2 =	slt.u32 s8, $0xFFFFF086  }
0x1c: {  	p1 =	slt.u32 s9, $0xF7A;
	s5 =	simm.s32 @!p2 $0x0  }
0x1d: {  	s5 =	simm.s32 @p1 $0x1;
	p0 =	seq.s32 s7, s2  }
0x1e: {  	s7 =	smul.u32 @!p0 $0xF7A, s2;
	p2 =	seq.s32 @!p0 s5, $0x0  }
0x1f: {  	s9 =	smul.u32 $0xF7A, s1;
	s8 =	simm.s32 @!p0 $0x1BF5;
	p2 =	por !p2, p0  }
0x20: {  	[sflag:s8] =	ssyncset.s32 @!p0 $0xFFFFF086;
	s6 =	sadd.s32 @!p0 s3, s7;
	s7 =	simm.s32 @!p0 $0x108  }
0x21: {  	s3 =	sadd.s32 s3, s9;
	s6 =	sadd.s32 @!p0 $0x88, s6;
	s7 =	simm.s32 @p2 $0x1082  }
0x22: {  	[simem:s7], [sflag:s8] =	dma.local @!p0 [hbm:s6], $0xF7A  }
0x23: {  	s9 =	sor.u32 $0xD0000000, s2;
	s6 =	simm.s32 $0x108;
	_ =	swait.ge @!p0 [sflag:s8], $0x0  }
0x24: {  	s3 =	sadd.s32 $0x88, s3;
	s6 =	simm.s32 @!p1 $0x1082;
	[sflag:s4] =	ssyncset.s32 $0xFFFFF086  }
0x25: {  	[simem:s6], [sflag:s4] =	dma.local [hbm:s3], $0xF7A  }
0x26: {  	[smem:$0x3F97] =	sst s1;
	(tag) =	ssettag s2;
	_ =	strace s9  }
0x27: {  	s1 =	sld [smem:$0x3FA7]  }
0x28: {  	s2 =	sld [smem:$0x3FA8]  }
0x29: {  	s4 =	sld [smem:$0x3FAA]  }
0x2a: {  	p0 =	seq.s32 s5, $0x0;
	s5 =	sld [smem:$0x3FAB]  }
0x2b: {  	s6 =	sld [smem:$0x3FAC]  }
0x2c: {  	s7 =	sld [smem:$0x3FAD]  }
0x2d: {  	s3 =	simm.s32 $0x108;
	s8 =	sld [smem:$0x3FAE]  }
0x2e: {  	s3 =	simm.s32 @!p0 $0x1082;
	s9 =	sld [smem:$0x3FAF]  }
0x2f: {  	lr =	sadd.s32 s0, s3;
	s0 =	sld [smem:$0x3FA6]  }
0x30: {  	s3 =	sld [smem:$0x3FA9]  }
0x31: {  	[smem:$0x3FB2] =	sst s10  }
0x32: {  	s10 =	sld [smem:$0x3FB0];
	_ =	sdelay $0x3  }
0x33: {  	p0 =	seq.s32 s10, $0x1;
	s10 =	sld [smem:$0x3FB2];
	_ =	sdelay $0x3  }
0x34: {  	[smem:$0x3FB2] =	sst s10  }
0x35: {  	s10 =	sld [smem:$0x3FB1];
	_ =	sdelay $0x3  }
0x36: {  	p1 =	seq.s32 s10, $0x1;
	s10 =	sld [smem:$0x3FB2];
	_ =	sdelay $0x3  }
0x37: {  	[smem:$0x3FB2] =	sst s10  }
0x38: {  	s10 =	sld [smem:$0x3FB3]  }
0x39: {  	_ = 	snop;
	(pc) =	sbr.ind lr, $3  }
0x3a: {  	_ = 	snop  }
0x3b: {  	_ = 	snop  }
0x3c: {  	p2 =	seq.s32 s10, $0x1;
	s10 =	sld [smem:$0x3FB2]  }
0x3d: {  	_ =	shalt  }
0x3e: {  	_ =	shalt  }
0x3f: {  	_ =	shalt  }
0x40: {  	_ =	shalt  }
0x41: {  	_ =	shalt  }
0x42: {  	_ =	shalt  }
0x43: {  	_ =	shalt  }
0x44: {  	_ =	shalt  }
0x45: {  	_ =	shalt  }
0x46: {  	_ =	shalt  }
0x47: {  	_ =	shalt  }
0x48: {  	_ =	shalt  }
0x49: {  	_ =	shalt  }
0x4a: {  	_ =	shalt  }
0x4b: {  	_ =	shalt  }
0x4c: {  	_ =	shalt  }
0x4d: {  	_ =	shalt  }
0x4e: {  	_ =	shalt  }
0x4f: {  	_ =	shalt  }
0x50: {  	_ =	shalt  }
0x51: {  	_ =	shalt  }
0x52: {  	_ =	shalt  }
0x53: {  	_ =	shalt  }
0x54: {  	_ =	shalt  }
0x55: {  	_ =	shalt  }
0x56: {  	_ =	shalt  }
0x57: {  	_ =	shalt  }
0x58: {  	_ =	shalt  }
0x59: {  	_ =	shalt  }
0x5a: {  	_ =	shalt  }
0x5b: {  	_ =	shalt  }
0x5c: {  	_ =	shalt  }
0x5d: {  	_ =	shalt  }
0x5e: {  	_ =	shalt  }
0x5f: {  	_ =	shalt  }
0x60: {  	_ =	shalt  }
0x61: {  	_ =	shalt  }
0x62: {  	_ =	shalt  }
0x63: {  	_ =	shalt  }
0x64: {  	_ =	shalt  }
0x65: {  	_ =	shalt  }
0x66: {  	_ =	shalt  }
0x67: {  	_ =	shalt  }
0x68: {  	_ =	shalt  }
0x69: {  	_ =	shalt  }
0x6a: {  	_ =	shalt  }
0x6b: {  	_ =	shalt  }
0x6c: {  	_ =	shalt  }
0x6d: {  	_ =	shalt  }
0x6e: {  	_ =	shalt  }
0x6f: {  	_ =	shalt  }
0x70: {  	_ =	shalt  }
0x71: {  	_ =	shalt  }
0x72: {  	_ =	shalt  }
0x73: {  	_ =	shalt  }
0x74: {  	_ =	shalt  }
0x75: {  	_ =	shalt  }
0x76: {  	_ =	shalt  }
0x77: {  	_ =	shalt  }
0x78: {  	_ =	shalt  }
0x79: {  	_ =	shalt  }
0x7a: {  	_ =	shalt  }
0x7b: {  	_ =	shalt  }
0x7c: {  	_ =	shalt  }
0x7d: {  	_ =	shalt  }
0x7e: {  	_ =	shalt  }
0x7f: {  	_ =	shalt  }
0x80: {  	_ =	shalt  }
0x81: {  	_ =	shalt  }
0x82: {  	_ =	shalt  }
0x83: {  	_ =	shalt  }
0x84: {  	_ =	shalt  }
0x85: {  	_ =	shalt  }
0x86: {  	_ =	shalt  }
0x87: {  	_ =	shalt  }
.Lfunc_end0:
.L_simem_size_0:
called_computation.2_lowered:
.L_overlay_start_0:
0x88: {  	s0 =	sld [smem:$0x3FD9]  }
0x89: {  	s1 =	sld [smem:$0x3FFE];
	_ =	sdelay $0x3  }
0x8a: {  	s0 =	sadd.s32 s1, s0  }
0x8b: {  	[smem:$0x3FBE] =	sst s0  }
0x8c: {  	_ = 	snop  }
0x8d: {  	(tm) =	ssettm $0x1  }
0x8e: {  	s15 =	sld [smem:$0x3FFB];
	_ =	sdelay $0x3  }
0x8f: {  	_ =	strace s15  }
0x90: {  	s0 =	sld [smem:$0x3FFC];
	_ =	sdelay $0x3  }
0x91: {  	_ =	strace s0  }
0x92: {  	s0 =	sld [smem:$0x3FFD];
	_ =	sdelay $0x3  }
0x93: {  	_ =	strace s0  }
0x94: {  	_ =	strace $0x8FFFFFFF  }
0x95: {  	s16 =	sld [smem:$0x3FDB];
	_ =	sdelay $0x1  }
0x96: {  	s17 =	simm.s32 $_scs_section_size  }
0x97: {  	s2 =	simm.s32 $_size__tile_overlayer_lowered;
	s3 =	simm.s32 $_tile_overlayer_lowered  }
0x98: {  	s20 =	simm.s32 $0x1BFF;
	s19 =	sshll.u32 s3, $0x1;
	s0 =	sadd.s32 s17, s16  }
0x99: {  	s4 =	simm.s32 $0x0;
	s18 =	sshll.u32 s2, $0x1;
	s2 =	sadd.s32 s19, s0  }
0x9a: {  	[timem:s4], [sflag:s20] =	dma.local [hbm:s2], s18  }
0x9b: {  	_ =	swait.ge [sflag:s20], s18  }
0x9c: {  	s1 =	ssub.s32 $0x0, s18;
	[sflag:s20] =	ssyncset.done $0x0  }
0x9d: {  	[sflag:s20] =	ssyncadd.s32 s1;
	_ =	sdelay $0x1  }
0x9e: {  	s21 =	simm.s32 $0x1B8B  }
0x9f: {  	_ =	swait.ge [sflag:s21], $0x1  }
0xa0: {  	[sflag:s21] =	ssyncset.done $0x0  }
0xa1: {  	s23 =	simm.s32 $0x1B8E;
	s22 =	sld [smem:$0x3FFE];
	[sflag:s21] =	ssyncadd.s32 $0xFFFFFFFF  }
0xa2: {  	s24 =	simm.s32 $execute0_lowered;
	[smem:$0x3FD2] =	sst s23  }
0xa3: {  	s2 =	sshll.u32 s24, $0x1;
	_ =	strace $0x8000004C;
	[dreg:$0x1] =	wrdreg $0xFFFFFFFF  }
0xa4: {  	s25 =	simm.s32 $_size_execute0_lowered;
	s0 =	sadd.s32 s0, s2;
	[dreg:$0x0] =	wrdreg $0x0  }
0xa5: {  	s2 =	sshll.u32 s25, $0x1;
	[dreg:$0x2] =	wrdreg s0  }
0xa6: {  	[dreg:$0x3] =	wrdreg s2  }
0xa7: {  	[dreg:$0x4] =	wrdreg $0xC0  }
0xa8: {  	_ =	task [dreg:s4], $0x5FFFF  }
0xa9: {  	[dreg:$0x1] =	wrdreg $0xFFFFFFFF  }
0xaa: {  	[dreg:$0x0] =	wrdreg $0x60  }
0xab: {  	[dreg:$0x2] =	wrdreg s22  }
0xac: {  	[dreg:$0x3] =	wrdreg $0x9  }
0xad: {  	_ =	task.clear_ibuf [dreg:s4], $0x4FFFF;
	_ =	strace $0x9000004C  }
0xae: {  	s26 =	simm.s32 $0x9;
	_ =	strace $0x8000004E  }
0xaf: {  	_ =	swait.ge [sflag:s26], $0x1  }
0xb0: {  	[sflag:s26] =	ssyncadd.s32 $0xFFFFFFFF  }
0xb1: {  	_ =	strace $0x9000004E  }
0xb2: {  	_ =	sfence  }
0xb3: {  	s28 =	sld [smem:$0x0];
	_ =	sdelay $0x1  }
0xb4: {  	s29 =	srdreg.scid  }
0xb5: {  	s30 =	sshll.u32 s29, $0xD;
	s31 =	sshrl.u32 s29, $0x2  }
0xb6: {  	s1 =	sand.u32 $0x1, s29;
	s2 =	sand.u32 $0x4000, s30;
	s0 =	sadd.s32 s31, s28  }
0xb7: {  	s1 =	sor.u32 s2, s1;
	s0 =	sshll.u32 s0, $0x11  }
0xb8: {  	s0 =	sor.u32 s0, s1  }
0xb9: {  	s0 =	sadd.s32 $0x8F2B, s0  }
0xba: {  	[sflag:s0] =	ssyncadd.remote.s32 $0x1  }
0xbb: {  	_ =	sfence.sel $0xFFFF  }
0xbc: {  	[dreg:$0x0] =	wrdreg $0xFFFFFFFF;
	(pc) =	sbr.abs _section_cstart, $3  }
0xbd: {  	[dreg:$0x1] =	wrdreg $0xFFFFFFFF  }
0xbe: {  	_ =	task.clear_ibuf [dreg:s4], $0x2FFFF;
	_ =	strace $0x9FFFFFFF  }
0xbf: {  	(tm) =	ssettm $0x7FFFFFFF  }
tec
execute0_lowered:
.L_overlay_start_1:
0x0: {  	(tag) =	ssettag $0x1  }
0x1: {  	s8 =	rddreg [dreg:$0x0]  }
0x2: {  	s0 =	rddreg [dreg:$0x1];
	_ =	strace $0x8000004D  }
0x3: {  	s4 =	simm.s32 $0x1;
	s1 =	stileid.u32;
	s7 =	simm.s32 $0x1  }
0x4: {  	s9 =	simm.s32 $0x1;
	s6 =	simm.s32 $0x2;
	s10 =	simm.s32 $0x3  }
0x5: {  	s13 =	simm.s32 $0x0;
	s12 =	simm.s32 $0x0;
	s2 =	sadd.s32 $0x22400, s8  }
.Ltmp0:
0x6: {  	s3 =	sadd.s32 $0x23000, s8;
	p0 =	slt.u32 s1, $0xA;
	(pc) =	sbr.rel .LBB2_1-.Ltmp0, $4  }
0x7: {  	[sflag:s4] =	ssyncpa.u1 $0x0;
	s7 =	simm.s32 @!p0 $0x0;
	p0 =	sne.s32 s1, $0x9  }
0x8: {  	s5 =	smul.u32 $0x190, s1;
	[sflag:s6] =	ssyncpa.u1 $0x0;
	s9 =	simm.s32 @!p0 $0x0  }
0x9: {  	s8 =	sadd.s32 $0x23800, s8;
	[sflag:s10] =	ssyncpa.u1 $0x0;
	s7 =	sadd.s32 s9, s7  }
0xa: {  	vm0 =	vmmov $0xffff;
	s10 =	simm.s32 $0x0;
	s11 =	smov.u32 s5;
	s9 =	sadd.s32 $0x1, s7  }
.LBB2_4:
0xb: {  	v2 =	vnsel vm1, $0x0, v2  }
0xc: {  	vm1 =	vgt.s32 v0, $0x0;
	v2 =	vmin.u32 v2, $0x270F  }
0xd: {  	v0 =	vnsel vm1, $0x0, v0  }
0xe: {  	v0 =	vmin.u32 v0, $0x270F  }
0xf: {  	[tilespmem:s18], [sflag:$0x1] =	stream.indirect_vreg.gather [hbm4b:s2+s10], $0x1, v1, vm0, $0x4038;
	[tilespmem:$0x640] =	vst v63  }
0x10: {  	(ifvalue) =	ssetifvalue $0x7FFFFFFF  }
0x11: {  	[tilespmem:s15], [sflag:$0x1] =	stream.indirect_vreg.gather [hbm4b:s2+s10], $0x1, v2, vm0, $0x4038;
	[tilespmem:$0x640] =	vst v63  }
0x12: {  	s29 =	sadd.s32 $0x10, s15;
	(ifvalue) =	ssetifvalue $0x7FFFFFFF  }
0x13: {  	[tilespmem:s29], [sflag:$0x1] =	stream.indirect_vreg.gather [hbm4b:s2+s10], $0x1, v0, vm0, $0x4038;
	[tilespmem:$0x640] =	vst v63  }
0x14: {  	_ =	swait.ge [sflag:s4], $0x190  }
0x15: {  	s30 =	sshrl.u32 s13, $0x3;
	[sflag:s4] =	ssyncset.done $0x0  }
0x16: {  	s31 =	sand.u32 $0x7, s13;
	s15 =	sadd.s32 s8, s30;
	[sflag:s4] =	ssyncadd.s32 $0xFFFFFE70  }
0x17: {  	[hbm4b:s15+s31] =	stream.linear.scatter [tilespmem:s14], [sflag:$0x3], $0x190, $0x38;
	[tilespmem:$0x640] =	vst v63  }
.LBB2_5:
0x18: {  	s15 =	sadd.s32 $0x1900, s11  }
0x19: {  	p1 =	sgt.s32 s15, $0x270F  }
0x1a: {  	s15 =	smov.u32 @p1 s5;
	p1 =	sne.s32 s12, s9  }
.Ltmp1:
0x1b: {  	p0 =	slt.u32 s12, $0x2;
	(pc) =	sbr.rel @!p1 .LBB2_6-.Ltmp1, $4  }
0x1c: {  	s14 =	simm.s32 @!p0 $0x3  }
0x1d: {  	_ =	swait.ge @!p0 [sflag:s14], $0x190  }
0x1e: {  	s16 =	sadd.s32 $0x1, s12;
	s13 =	smov.u32 s11;
	[sflag:s14] =	ssyncset.done @!p0 $0x0  }
0x1f: {  	s12 =	smov.u32 s16;
	s11 =	smov.u32 s15;
	[sflag:s14] =	ssyncadd.s32 @!p0 $0xFFFFFE70  }
.LBB2_1:
0x20: {  	p0 =	sge.u32 s12, s7  }
0x21: {  	s14 =	sxor.u32 @!p0 $0x1, s12  }
0x22: {  	s14 =	smul.u32 @!p0 $0x640, s14  }
0x23: {  	s31 =	sadd.s32 $0xFFFFFFFF, s12;
	s15 =	sshrl.u32 @!p0 s11, $0x3  }
0x24: {  	s16 =	sand.u32 @!p0 $0x7, s11;
	s15 =	sadd.s32 @!p0 s3, s15;
	s14 =	sshra.s32 @!p0 s14, $0x2  }
0x25: {  	[tilespmem:s14], [sflag:$0x2] =	stream.linear.gather @!p0 [hbm4b:s15+s16], $0x190, $0x38;
	[tilespmem:$0x640] =	vst v63  }
0x26: {  	p0 =	sge.u32 s31, s7  }
.Ltmp2:
0x27: {  	_ = 	snop;
	(pc) =	sbr.rel @p0 .LBB2_5-.Ltmp2, $1  }
0x28: {  	_ =	sdelay $0x3  }
0x29: {  	s14 =	sand.u32 $0x1, s12  }
0x2a: {  	_ =	swait.ge [sflag:s6], $0x190;
	p0 =	seq.s32 s14, $0x1;
	s14 =	simm.s32 $0x190  }
0x2b: {  	[sflag:s6] =	ssyncset.done $0x0;
	s14 =	simm.s32 @!p0 $0x0  }
0x2c: {  	[sflag:s6] =	ssyncadd.s32 $0xFFFFFE70;
	(ifvalue) =	ssetifvalue $0x7FFFFFFF;
	v0 =	vld.msk [tilespmem:s14+$0x0 ss:$0x1], $0xffff;
	_ =	sdelay $0x4  }
0x2d: {  	s15 =	sadd.s32 $0x10, s14;
	vm1 =	vgt.s32 v0, $0x0  }
0x2e: {  	v2 =	vld.msk [tilespmem:s15+$0x0 ss:$0x1], $0xffff;
	v1 =	vnsel vm1, $0x0, v0  }
0x2f: {  	v1 =	vmin.u32 v1, $0x270F;
	_ =	sdelay $0x2  }
0x30: {  	s17 =	simm.s32 $0x20;
	s14 =	sadd.s32 $0x320, s14;
	s16 =	sadd.s32 $0x10, s15  }
0x31: {  	s15 =	sadd.s32 $0x10, s14;
	s18 =	smov.u32 s14;
	v0 =	vld.msk [tilespmem:s16+$0x0 ss:$0x1], $0xffff;
	vm1 =	vgt.s32 v2, $0x0;
	(ifvalue) =	ssetifvalue $0x7FFFFFFF  }
.LBB2_3:
0x32: {  	[tilespmem:s18], [sflag:$0x1] =	stream.indirect_vreg.gather [hbm4b:s2+s10], $0x1, v1, vm0, $0x4038;
	[tilespmem:$0x640] =	vst v63  }
0x33: {  	s17 =	sadd.s32 $0x10, s17  }
0x34: {  	v2 =	vnsel vm1, $0x0, v2;
	p0 =	slt.u32 s17, $0x180  }
.Ltmp3:
0x35: {  	s18 =	smov.u32 s15;
	v1 =	vmin.u32 v2, $0x270F;
	(pc) =	sbr.rel @p0 .LBB2_3-.Ltmp3, $3  }
0x36: {  	_ =	sdelay $0x1  }
0x37: {  	s16 =	sadd.s32 $0x10, s16  }
0x38: {  	vm1 =	vgt.s32 v0, $0x0;
	s15 =	sadd.s32 $0x10, s15;
	v2 =	vmov v0;
	(ifvalue) =	ssetifvalue $0x7FFFFFFF;
	v0 =	vld.msk [tilespmem:s16+$0x0 ss:$0x1], $0xffff  }
.Ltmp4:
0x39: {  	_ = 	snop;
	(pc) =	sbr.rel .LBB2_4-.Ltmp4, $1  }
0x3a: {  	_ =	sdelay $0x3  }
.LBB2_6:
0x3b: {  	_ =	sfence.sel $0x180000  }
0x3c: {  	s2 =	simm.s32 $0x2;
	[bflag:$0x0] =	sbarrier.arrive $0xFFFF  }
0x3d: {  	s30 =	simm.s32 $0x3;
	[sflag:s2] =	ssyncpa.u1 $0x1  }
0x3e: {  	s31 =	simm.s32 $0x1;
	[sflag:s30] =	ssyncpa.u1 $0x1  }
0x3f: {  	[sflag:s31] =	ssyncpa.u1 $0x1  }
0x40: {  	p0 =	sne.s32 s1, $0x0;
	_ =	strace $0x9000004D  }
0x41: {  	s0 =	sadd.s32 @!p0 $0x100000, s0;
	[bflag:$0x2] =	sbarrier.arrive $0xFFFF  }
0x42: {  	[sflag:s0] =	ssyncadd.tile.s32 @!p0 $0x1;
	_ =	shalt  }
.Lfunc_end2:
_tile_overlayer_lowered:
.L_overlay_start_2:
0x43: {  	(tag) =	ssettag $0x2  }
0x44: {  	s0 =	rddreg [dreg:$0x0];
	s2 =	stileid.u32  }
0x45: {  	s1 =	rddreg [dreg:$0x1];
	p0 =	sne.s32 s2, $0x0  }
0x46: {  	s3 =	rddreg [dreg:$0x2];
	[bflag:$0x3] =	sbarrier.arrive $0xFFFF;
	s2 =	simm.s32 @!p0 $0x1C01  }
0x47: {  	[timem:s3], [sflag:s2] =	dma.local @!p0 [hbm:s0], s1  }
0x48: {  	s0 =	simm.s32 @!p0 $0x1  }
0x49: {  	_ =	swait.ge @!p0 [sflag:s0], s1  }
0x4a: {  	s1 =	ssub.s32 @!p0 $0x0, s1;
	[sflag:s0] =	ssyncset.done @!p0 $0x0  }
0x4b: {  	[sflag:s0] =	ssyncadd.s32 @!p0 s1  }
0x4c: {  	[bflag:$0x3] =	sbarrier.arrive $0xFFFF  }
0x4d: {  	_ =	shalt  }

// kernel: gather_offload_async_start.2
scs
__scs_entry_jumppad:
0x0: {  	(pc) =	sbr.rel $0x88, $3  }
0x1: {  	(tag) =	ssettag $0x0;
	lr =	simm.s32 $0x1  }
0x2: {  	[smem:$0x3F97] =	sst lr;
	_ =	strace $0xD0000000  }
0x3: {  	_ = 	snop  }
0x4: {  	_ = 	snop  }
0x5: {  	_ = 	snop  }
0x6: {  	_ = 	snop  }
0x7: {  	_ = 	snop  }
__scs_overlays_trampoline_lowered:
0x8: {  	[smem:$0x3FA6] =	sst s0  }
0x9: {  	[smem:$0x3FA7] =	sst s1  }
0xa: {  	[smem:$0x3FA8] =	sst s2  }
0xb: {  	[smem:$0x3FA9] =	sst s3  }
0xc: {  	[smem:$0x3FAA] =	sst s4  }
0xd: {  	[smem:$0x3FAB] =	sst s5  }
0xe: {  	[smem:$0x3FAC] =	sst s6  }
0xf: {  	[smem:$0x3FAD] =	sst s7  }
0x10: {  	[smem:$0x3FAE] =	sst s8  }
0x11: {  	[smem:$0x3FAF] =	sst s9;
	s0 =	simm.s32 @!p0 $0x0  }
0x12: {  	s1 =	sld [smem:$0x3F95];
	s0 =	simm.s32 @p0 $0x1  }
0x13: {  	[smem:$0x3FB0] =	sst s0;
	s0 =	simm.s32 @!p1 $0x0  }
0x14: {  	s2 =	sld [smem:$0x3F94];
	s0 =	simm.s32 @p1 $0x1  }
0x15: {  	[smem:$0x3FB1] =	sst s0;
	s0 =	simm.s32 @!p2 $0x0  }
0x16: {  	s3 =	sld [smem:$0x3FDB];
	s0 =	simm.s32 @p2 $0x1  }
0x17: {  	s4 =	simm.s32 $0x1BF5;
	[smem:$0x3FB3] =	sst s0  }
0x18: {  	s0 =	sld [smem:$0x3F96];
	_ =	swait.ge [sflag:s4], $0x0  }
0x19: {  	s7 =	sld [smem:$0x3F97]  }
0x1a: {  	s8 =	sadd.s32 $0xFFFFE003, lr  }
0x1b: {  	s9 =	sadd.s32 $0xFFFFFEF7, lr;
	s5 =	simm.s32 $0xFFFFFFFF;
	p2 =	slt.u32 s8, $0xFFFFF086  }
0x1c: {  	p1 =	slt.u32 s9, $0xF7A;
	s5 =	simm.s32 @!p2 $0x0  }
0x1d: {  	s5 =	simm.s32 @p1 $0x1;
	p0 =	seq.s32 s7, s2  }
0x1e: {  	s7 =	smul.u32 @!p0 $0xF7A, s2;
	p2 =	seq.s32 @!p0 s5, $0x0  }
0x1f: {  	s9 =	smul.u32 $0xF7A, s1;
	s8 =	simm.s32 @!p0 $0x1BF5;
	p2 =	por !p2, p0  }
0x20: {  	[sflag:s8] =	ssyncset.s32 @!p0 $0xFFFFF086;
	s6 =	sadd.s32 @!p0 s3, s7;
	s7 =	simm.s32 @!p0 $0x108  }
0x21: {  	s3 =	sadd.s32 s3, s9;
	s6 =	sadd.s32 @!p0 $0x88, s6;
	s7 =	simm.s32 @p2 $0x1082  }
0x22: {  	[simem:s7], [sflag:s8] =	dma.local @!p0 [hbm:s6], $0xF7A  }
0x23: {  	s9 =	sor.u32 $0xD0000000, s2;
	s6 =	simm.s32 $0x108;
	_ =	swait.ge @!p0 [sflag:s8], $0x0  }
0x24: {  	s3 =	sadd.s32 $0x88, s3;
	s6 =	simm.s32 @!p1 $0x1082;
	[sflag:s4] =	ssyncset.s32 $0xFFFFF086  }
0x25: {  	[simem:s6], [sflag:s4] =	dma.local [hbm:s3], $0xF7A  }
0x26: {  	[smem:$0x3F97] =	sst s1;
	(tag) =	ssettag s2;
	_ =	strace s9  }
0x27: {  	s1 =	sld [smem:$0x3FA7]  }
0x28: {  	s2 =	sld [smem:$0x3FA8]  }
0x29: {  	s4 =	sld [smem:$0x3FAA]  }
0x2a: {  	p0 =	seq.s32 s5, $0x0;
	s5 =	sld [smem:$0x3FAB]  }
0x2b: {  	s6 =	sld [smem:$0x3FAC]  }
0x2c: {  	s7 =	sld [smem:$0x3FAD]  }
0x2d: {  	s3 =	simm.s32 $0x108;
	s8 =	sld [smem:$0x3FAE]  }
0x2e: {  	s3 =	simm.s32 @!p0 $0x1082;
	s9 =	sld [smem:$0x3FAF]  }
0x2f: {  	lr =	sadd.s32 s0, s3;
	s0 =	sld [smem:$0x3FA6]  }
0x30: {  	s3 =	sld [smem:$0x3FA9]  }
0x31: {  	[smem:$0x3FB2] =	sst s10  }
0x32: {  	s10 =	sld [smem:$0x3FB0];
	_ =	sdelay $0x3  }
0x33: {  	p0 =	seq.s32 s10, $0x1;
	s10 =	sld [smem:$0x3FB2];
	_ =	sdelay $0x3  }
0x34: {  	[smem:$0x3FB2] =	sst s10  }
0x35: {  	s10 =	sld [smem:$0x3FB1];
	_ =	sdelay $0x3  }
0x36: {  	p1 =	seq.s32 s10, $0x1;
	s10 =	sld [smem:$0x3FB2];
	_ =	sdelay $0x3  }
0x37: {  	[smem:$0x3FB2] =	sst s10  }
0x38: {  	s10 =	sld [smem:$0x3FB3]  }
0x39: {  	_ = 	snop;
	(pc) =	sbr.ind lr, $3  }
0x3a: {  	_ = 	snop  }
0x3b: {  	_ = 	snop  }
0x3c: {  	p2 =	seq.s32 s10, $0x1;
	s10 =	sld [smem:$0x3FB2]  }
0x3d: {  	_ =	shalt  }
0x3e: {  	_ =	shalt  }
0x3f: {  	_ =	shalt  }
0x40: {  	_ =	shalt  }
0x41: {  	_ =	shalt  }
0x42: {  	_ =	shalt  }
0x43: {  	_ =	shalt  }
0x44: {  	_ =	shalt  }
0x45: {  	_ =	shalt  }
0x46: {  	_ =	shalt  }
0x47: {  	_ =	shalt  }
0x48: {  	_ =	shalt  }
0x49: {  	_ =	shalt  }
0x4a: {  	_ =	shalt  }
0x4b: {  	_ =	shalt  }
0x4c: {  	_ =	shalt  }
0x4d: {  	_ =	shalt  }
0x4e: {  	_ =	shalt  }
0x4f: {  	_ =	shalt  }
0x50: {  	_ =	shalt  }
0x51: {  	_ =	shalt  }
0x52: {  	_ =	shalt  }
0x53: {  	_ =	shalt  }
0x54: {  	_ =	shalt  }
0x55: {  	_ =	shalt  }
0x56: {  	_ =	shalt  }
0x57: {  	_ =	shalt  }
0x58: {  	_ =	shalt  }
0x59: {  	_ =	shalt  }
0x5a: {  	_ =	shalt  }
0x5b: {  	_ =	shalt  }
0x5c: {  	_ =	shalt  }
0x5d: {  	_ =	shalt  }
0x5e: {  	_ =	shalt  }
0x5f: {  	_ =	shalt  }
0x60: {  	_ =	shalt  }
0x61: {  	_ =	shalt  }
0x62: {  	_ =	shalt  }
0x63: {  	_ =	shalt  }
0x64: {  	_ =	shalt  }
0x65: {  	_ =	shalt  }
0x66: {  	_ =	shalt  }
0x67: {  	_ =	shalt  }
0x68: {  	_ =	shalt  }
0x69: {  	_ =	shalt  }
0x6a: {  	_ =	shalt  }
0x6b: {  	_ =	shalt  }
0x6c: {  	_ =	shalt  }
0x6d: {  	_ =	shalt  }
0x6e: {  	_ =	shalt  }
0x6f: {  	_ =	shalt  }
0x70: {  	_ =	shalt  }
0x71: {  	_ =	shalt  }
0x72: {  	_ =	shalt  }
0x73: {  	_ =	shalt  }
0x74: {  	_ =	shalt  }
0x75: {  	_ =	shalt  }
0x76: {  	_ =	shalt  }
0x77: {  	_ =	shalt  }
0x78: {  	_ =	shalt  }
0x79: {  	_ =	shalt  }
0x7a: {  	_ =	shalt  }
0x7b: {  	_ =	shalt  }
0x7c: {  	_ =	shalt  }
0x7d: {  	_ =	shalt  }
0x7e: {  	_ =	shalt  }
0x7f: {  	_ =	shalt  }
0x80: {  	_ =	shalt  }
0x81: {  	_ =	shalt  }
0x82: {  	_ =	shalt  }
0x83: {  	_ =	shalt  }
0x84: {  	_ =	shalt  }
0x85: {  	_ =	shalt  }
0x86: {  	_ =	shalt  }
0x87: {  	_ =	shalt  }
.Lfunc_end0:
.L_simem_size_0:
called_computation.3_lowered:
.L_overlay_start_0:
0x88: {  	s2 =	sld [smem:$0x3FD9]  }
0x89: {  	s3 =	sld [smem:$0x3FFE];
	_ =	sdelay $0x1  }
0x8a: {  	s1 =	srdreg.scid  }
0x8b: {  	s0 =	sand.u32 $0x1, s1  }
0x8c: {  	s17 =	sshll.u32 s0, $0xA;
	s2 =	sadd.s32 s3, s2  }
0x8d: {  	s2 =	sadd.s32 s2, s17  }
0x8e: {  	[smem:$0x3FBE] =	sst s2  }
0x8f: {  	_ = 	snop  }
0x90: {  	s2 =	sld [smem:$0x3FD0];
	(tm) =	ssettm $0x1  }
0x91: {  	s18 =	sld [smem:$0x3FFB];
	_ =	sdelay $0x3  }
0x92: {  	_ =	strace s18  }
0x93: {  	s3 =	sld [smem:$0x3FFC];
	_ =	sdelay $0x3  }
0x94: {  	_ =	strace s3  }
0x95: {  	s3 =	sld [smem:$0x3FFD];
	_ =	sdelay $0x3  }
0x96: {  	_ =	strace s3  }
0x97: {  	_ =	strace $0x8FFFFFFF  }
0x98: {  	s19 =	sld [smem:$0x3FDB];
	_ =	sdelay $0x1  }
0x99: {  	s4 =	simm.s32 $_scs_section_size  }
0x9a: {  	s5 =	simm.s32 $_size__tile_overlayer_lowered;
	s6 =	simm.s32 $_tile_overlayer_lowered  }
0x9b: {  	s22 =	simm.s32 $0x1BFF;
	s21 =	sshll.u32 s6, $0x1;
	s3 =	sadd.s32 s4, s19  }
0x9c: {  	s7 =	simm.s32 $0x0;
	s20 =	sshll.u32 s5, $0x1;
	s5 =	sadd.s32 s21, s3  }
0x9d: {  	[timem:s7], [sflag:s22] =	dma.local [hbm:s5], s20  }
0x9e: {  	_ =	swait.ge [sflag:s22], s20  }
0x9f: {  	s4 =	ssub.s32 $0x0, s20;
	[sflag:s22] =	ssyncset.done $0x0  }
0xa0: {  	[sflag:s22] =	ssyncadd.s32 s4;
	_ =	sdelay $0x1  }
0xa1: {  	s23 =	simm.s32 $0x1B8B  }
0xa2: {  	_ =	swait.ge [sflag:s23], $0x1  }
0xa3: {  	[sflag:s23] =	ssyncset.done $0x0  }
0xa4: {  	s25 =	simm.s32 $0x1B8E;
	s24 =	sld [smem:$0x3FFE];
	[sflag:s23] =	ssyncadd.s32 $0xFFFFFFFF  }
0xa5: {  	s26 =	simm.s32 $execute0_lowered;
	[smem:$0x3FD2] =	sst s25  }
0xa6: {  	s5 =	sshll.u32 s26, $0x1;
	_ =	strace $0x8000004F;
	[dreg:$0x1] =	wrdreg $0xFFFFFFFF  }
0xa7: {  	s28 =	simm.s32 $_size_execute0_lowered;
	s3 =	sadd.s32 s3, s5;
	[dreg:$0x0] =	wrdreg $0x0  }
0xa8: {  	s5 =	sshll.u32 s28, $0x1;
	[dreg:$0x2] =	wrdreg s3  }
0xa9: {  	[dreg:$0x3] =	wrdreg s5  }
0xaa: {  	[dreg:$0x4] =	wrdreg $0xC0  }
0xab: {  	_ =	task [dreg:s7], $0x5FFFF  }
0xac: {  	[dreg:$0x1] =	wrdreg $0xFFFFFFFF  }
0xad: {  	[dreg:$0x0] =	wrdreg $0x60  }
0xae: {  	[dreg:$0x2] =	wrdreg s2  }
0xaf: {  	[dreg:$0x3] =	wrdreg s24  }
0xb0: {  	[dreg:$0x4] =	wrdreg $0x9  }
0xb1: {  	_ =	task.clear_ibuf [dreg:s7], $0x5FFFF;
	_ =	strace $0x9000004F  }
0xb2: {  	s29 =	simm.s32 $0x9;
	_ =	strace $0x80000051  }
0xb3: {  	_ =	swait.ge [sflag:s29], $0x1  }
0xb4: {  	[sflag:s29] =	ssyncadd.s32 $0xFFFFFFFF  }
0xb5: {  	_ =	strace $0x90000051  }
0xb6: {  	_ =	sfence  }
0xb7: {  	s30 =	sld [smem:$0x0];
	_ =	sdelay $0x2  }
0xb8: {  	s31 =	sshll.u32 s1, $0xD;
	s1 =	sshrl.u32 s1, $0x2  }
0xb9: {  	s3 =	sand.u32 $0x4000, s31;
	s1 =	sadd.s32 s1, s30  }
0xba: {  	s0 =	sor.u32 s3, s0;
	s1 =	sshll.u32 s1, $0x11  }
0xbb: {  	s0 =	sor.u32 s1, s0  }
0xbc: {  	s0 =	sadd.s32 $0x8F2B, s0  }
0xbd: {  	[sflag:s0] =	ssyncadd.remote.s32 $0x1  }
0xbe: {  	_ =	sfence.sel $0xFFFF  }
0xbf: {  	[dreg:$0x0] =	wrdreg $0xFFFFFFFF;
	(pc) =	sbr.abs _section_cstart, $3  }
0xc0: {  	[dreg:$0x1] =	wrdreg $0xFFFFFFFF  }
0xc1: {  	_ =	task.clear_ibuf [dreg:s7], $0x2FFFF;
	_ =	strace $0x9FFFFFFF  }
0xc2: {  	(tm) =	ssettm $0x7FFFFFFF  }
0xc3: {  	_ =	shalt  }
tec
execute0_lowered:
.L_overlay_start_1:
0x0: {  	(tag) =	ssettag $0x1  }
0x1: {  	s2 =	rddreg [dreg:$0x0]  }
0x2: {  	s8 =	rddreg [dreg:$0x1]  }
0x3: {  	s0 =	rddreg [dreg:$0x2];
	s1 =	stileid.u32  }
0x4: {  	s3 =	srdreg.scid;
	_ =	strace $0x80000050;
	s4 =	simm.s32 $0x1  }
0x5: {  	s7 =	simm.s32 $0x1;
	s9 =	simm.s32 $0x1;
	s10 =	simm.s32 $0x3  }
0x6: {  	s13 =	simm.s32 $0x0;
	s5 =	sand.u32 $0x1, s3;
	s6 =	sshll.u32 s1, $0x1  }
0x7: {  	s12 =	simm.s32 $0x0;
	s3 =	sadd.s32 $0x18400, s8;
	s5 =	sor.u32 s6, s5  }
.Ltmp0:
0x8: {  	[sflag:s4] =	ssyncpa.u1 $0x0;
	p0 =	slt.u32 s5, $0x9;
	(pc) =	sbr.rel .LBB2_1-.Ltmp0, $4  }
0x9: {  	s6 =	simm.s32 $0x2;
	s7 =	simm.s32 @!p0 $0x0;
	p0 =	sne.s32 s5, $0x8  }
0xa: {  	[sflag:s6] =	ssyncpa.u1 $0x0;
	s5 =	smul.u32 $0xFA0, s5;
	s9 =	simm.s32 @!p0 $0x0  }
0xb: {  	s8 =	sadd.s32 $0x1D400, s8;
	[sflag:s10] =	ssyncpa.u1 $0x0;
	s7 =	sadd.s32 s9, s7  }
0xc: {  	vm0 =	vmmov $0xffff;
	s10 =	simm.s32 $0x0;
	s11 =	smov.u32 s5;
	s9 =	sadd.s32 $0x1, s7  }
.LBB2_4:
0xd: {  	v2 =	vnsel vm1, $0x0, v2  }
0xe: {  	vm1 =	vgt.s32 v0, $0x0;
	v2 =	vmin.u32 v2, $0x270FF  }
0xf: {  	v0 =	vnsel vm1, $0x0, v0  }
0x10: {  	v0 =	vmin.u32 v0, $0x270FF  }
0x11: {  	[tilespmem:s18], [sflag:$0x1] =	stream.indirect_vreg.gather [hbm4b:s2+s10], $0x1, v1, vm0, $0x4038;
	[tilespmem:$0x3E80] =	vst v63  }
0x12: {  	(ifvalue) =	ssetifvalue $0x7FFFFFFF  }
0x13: {  	[tilespmem:s15], [sflag:$0x1] =	stream.indirect_vreg.gather [hbm4b:s2+s10], $0x1, v2, vm0, $0x4038;
	[tilespmem:$0x3E80] =	vst v63  }
0x14: {  	s29 =	sadd.s32 $0x10, s15;
	(ifvalue) =	ssetifvalue $0x7FFFFFFF  }
0x15: {  	[tilespmem:s29], [sflag:$0x1] =	stream.indirect_vreg.gather [hbm4b:s2+s10], $0x1, v0, vm0, $0x4038;
	[tilespmem:$0x3E80] =	vst v63  }
0x16: {  	_ =	swait.ge [sflag:s4], $0xFA0  }
0x17: {  	s30 =	sshrl.u32 s13, $0x3;
	[sflag:s4] =	ssyncset.done $0x0  }
0x18: {  	s31 =	sand.u32 $0x7, s13;
	s15 =	sadd.s32 s8, s30;
	[sflag:s4] =	ssyncadd.s32 $0xFFFFF060  }
0x19: {  	[hbm4b:s15+s31] =	stream.linear.scatter [tilespmem:s14], [sflag:$0x3], $0xFA0, $0x38;
	[tilespmem:$0x3E80] =	vst v63  }
.LBB2_5:
0x1a: {  	s15 =	sadd.s32 $0x1F400, s11  }
0x1b: {  	p1 =	sgt.s32 s15, $0x270FF  }
0x1c: {  	s15 =	smov.u32 @p1 s5;
	p1 =	sne.s32 s12, s9  }
.Ltmp1:
0x1d: {  	p0 =	slt.u32 s12, $0x2;
	(pc) =	sbr.rel @!p1 .LBB2_6-.Ltmp1, $4  }
0x1e: {  	s14 =	simm.s32 @!p0 $0x3  }
0x1f: {  	_ =	swait.ge @!p0 [sflag:s14], $0xFA0  }
0x20: {  	s16 =	sadd.s32 $0x1, s12;
	s13 =	smov.u32 s11;
	[sflag:s14] =	ssyncset.done @!p0 $0x0  }
0x21: {  	s12 =	smov.u32 s16;
	s11 =	smov.u32 s15;
	[sflag:s14] =	ssyncadd.s32 @!p0 $0xFFFFF060  }
.LBB2_1:
0x22: {  	p0 =	sge.u32 s12, s7  }
0x23: {  	s14 =	sxor.u32 @!p0 $0x1, s12  }
0x24: {  	s14 =	smul.u32 @!p0 $0x3E80, s14  }
0x25: {  	s31 =	sadd.s32 $0xFFFFFFFF, s12;
	s15 =	sshrl.u32 @!p0 s11, $0x3  }
0x26: {  	s16 =	sand.u32 @!p0 $0x7, s11;
	s15 =	sadd.s32 @!p0 s3, s15;
	s14 =	sshra.s32 @!p0 s14, $0x2  }
0x27: {  	[tilespmem:s14], [sflag:$0x2] =	stream.linear.gather @!p0 [hbm4b:s15+s16], $0xFA0, $0x38;
	[tilespmem:$0x3E80] =	vst v63  }
0x28: {  	p0 =	sge.u32 s31, s7  }
.Ltmp2:
0x29: {  	_ = 	snop;
	(pc) =	sbr.rel @p0 .LBB2_5-.Ltmp2, $1  }
0x2a: {  	_ =	sdelay $0x3  }
0x2b: {  	s14 =	sand.u32 $0x1, s12  }
0x2c: {  	_ =	swait.ge [sflag:s6], $0xFA0;
	p0 =	seq.s32 s14, $0x1;
	s14 =	simm.s32 $0xFA0  }
0x2d: {  	[sflag:s6] =	ssyncset.done $0x0;
	s14 =	simm.s32 @!p0 $0x0  }
0x2e: {  	[sflag:s6] =	ssyncadd.s32 $0xFFFFF060;
	(ifvalue) =	ssetifvalue $0x7FFFFFFF;
	v0 =	vld.msk [tilespmem:s14+$0x0 ss:$0x1], $0xffff;
	_ =	sdelay $0x4  }
0x2f: {  	s15 =	sadd.s32 $0x10, s14;
	vm1 =	vgt.s32 v0, $0x0  }
0x30: {  	v2 =	vld.msk [tilespmem:s15+$0x0 ss:$0x1], $0xffff;
	v1 =	vnsel vm1, $0x0, v0  }
0x31: {  	v1 =	vmin.u32 v1, $0x270FF;
	_ =	sdelay $0x2  }
0x32: {  	s17 =	simm.s32 $0x20;
	s14 =	sadd.s32 $0x1F40, s14;
	s16 =	sadd.s32 $0x10, s15  }
0x33: {  	s15 =	sadd.s32 $0x10, s14;
	s18 =	smov.u32 s14;
	v0 =	vld.msk [tilespmem:s16+$0x0 ss:$0x1], $0xffff;
	vm1 =	vgt.s32 v2, $0x0;
	(ifvalue) =	ssetifvalue $0x7FFFFFFF  }
.LBB2_3:
0x34: {  	[tilespmem:s18], [sflag:$0x1] =	stream.indirect_vreg.gather [hbm4b:s2+s10], $0x1, v1, vm0, $0x4038;
	[tilespmem:$0x3E80] =	vst v63  }
0x35: {  	s17 =	sadd.s32 $0x10, s17  }
0x36: {  	v2 =	vnsel vm1, $0x0, v2;
	p0 =	slt.u32 s17, $0xF90  }
.Ltmp3:
0x37: {  	s18 =	smov.u32 s15;
	v1 =	vmin.u32 v2, $0x270FF;
	(pc) =	sbr.rel @p0 .LBB2_3-.Ltmp3, $3  }
0x38: {  	_ =	sdelay $0x1  }
0x39: {  	s16 =	sadd.s32 $0x10, s16  }
0x3a: {  	vm1 =	vgt.s32 v0, $0x0;
	s15 =	sadd.s32 $0x10, s15;
	v2 =	vmov v0;
	(ifvalue) =	ssetifvalue $0x7FFFFFFF;
	v0 =	vld.msk [tilespmem:s16+$0x0 ss:$0x1], $0xffff  }
.Ltmp4:
0x3b: {  	_ = 	snop;
	(pc) =	sbr.rel .LBB2_4-.Ltmp4, $1  }
0x3c: {  	_ =	sdelay $0x3  }
.LBB2_6:
0x3d: {  	_ =	sfence.sel $0x180000  }
0x3e: {  	s2 =	simm.s32 $0x2;
	[bflag:$0x0] =	sbarrier.arrive $0xFFFF  }
0x3f: {  	s30 =	simm.s32 $0x3;
	[sflag:s2] =	ssyncpa.u1 $0x1  }
0x40: {  	s31 =	simm.s32 $0x1;
	[sflag:s30] =	ssyncpa.u1 $0x1  }
0x41: {  	[sflag:s31] =	ssyncpa.u1 $0x1  }
0x42: {  	p0 =	sne.s32 s1, $0x0;
	_ =	strace $0x90000050  }
0x43: {  	s0 =	sadd.s32 @!p0 $0x100000, s0;
	[bflag:$0x2] =	sbarrier.arrive $0xFFFF  }
0x44: {  	[sflag:s0] =	ssyncadd.tile.s32 @!p0 $0x1;
	_ =	shalt  }
.Lfunc_end2:
_tile_overlayer_lowered:
.L_overlay_start_2:
0x45: {  	(tag) =	ssettag $0x2  }
0x46: {  	s0 =	rddreg [dreg:$0x0];
	s2 =	stileid.u32  }
0x47: {  	s1 =	rddreg [dreg:$0x1];
	p0 =	sne.s32 s2, $0x0  }
0x48: {  	s3 =	rddreg [dreg:$0x2];
	[bflag:$0x3] =	sbarrier.arrive $0xFFFF;
	s2 =	simm.s32 @!p0 $0x1C01  }
0x49: {  	[timem:s3], [sflag:s2] =	dma.local @!p0 [hbm:s0], s1  }
0x4a: {  	s0 =	simm.s32 @!p0 $0x1  }
0x4b: {  	_ =	swait.ge @!p0 [sflag:s0], s1  }
0x4c: {  	s1 =	ssub.s32 @!p0 $0x0, s1;
	[sflag:s0] =	ssyncset.done @!p0 $0x0  }
0x4d: {  	[sflag:s0] =	ssyncadd.s32 @!p0 s1  }
0x4e: {  	[bflag:$0x3] =	sbarrier.arrive $0xFFFF  }
0x4f: {  	_ =	shalt  }

// kernel: gather_offload_async_start
scs
__scs_entry_jumppad:
0x0: {  	(pc) =	sbr.rel $0x88, $3  }
0x1: {  	(tag) =	ssettag $0x0;
	lr =	simm.s32 $0x1  }
0x2: {  	[smem:$0x3F97] =	sst lr;
	_ =	strace $0xD0000000  }
0x3: {  	_ = 	snop  }
0x4: {  	_ = 	snop  }
0x5: {  	_ = 	snop  }
0x6: {  	_ = 	snop  }
0x7: {  	_ = 	snop  }
__scs_overlays_trampoline_lowered:
0x8: {  	[smem:$0x3FA6] =	sst s0  }
0x9: {  	[smem:$0x3FA7] =	sst s1  }
0xa: {  	[smem:$0x3FA8] =	sst s2  }
0xb: {  	[smem:$0x3FA9] =	sst s3  }
0xc: {  	[smem:$0x3FAA] =	sst s4  }
0xd: {  	[smem:$0x3FAB] =	sst s5  }
0xe: {  	[smem:$0x3FAC] =	sst s6  }
0xf: {  	[smem:$0x3FAD] =	sst s7  }
0x10: {  	[smem:$0x3FAE] =	sst s8  }
0x11: {  	[smem:$0x3FAF] =	sst s9;
	s0 =	simm.s32 @!p0 $0x0  }
0x12: {  	s1 =	sld [smem:$0x3F95];
	s0 =	simm.s32 @p0 $0x1  }
0x13: {  	[smem:$0x3FB0] =	sst s0;
	s0 =	simm.s32 @!p1 $0x0  }
0x14: {  	s2 =	sld [smem:$0x3F94];
	s0 =	simm.s32 @p1 $0x1  }
0x15: {  	[smem:$0x3FB1] =	sst s0;
	s0 =	simm.s32 @!p2 $0x0  }
0x16: {  	s3 =	sld [smem:$0x3FDB];
	s0 =	simm.s32 @p2 $0x1  }
0x17: {  	s4 =	simm.s32 $0x1BF5;
	[smem:$0x3FB3] =	sst s0  }
0x18: {  	s0 =	sld [smem:$0x3F96];
	_ =	swait.ge [sflag:s4], $0x0  }
0x19: {  	s7 =	sld [smem:$0x3F97]  }
0x1a: {  	s8 =	sadd.s32 $0xFFFFE003, lr  }
0x1b: {  	s9 =	sadd.s32 $0xFFFFFEF7, lr;
	s5 =	simm.s32 $0xFFFFFFFF;
	p2 =	slt.u32 s8, $0xFFFFF086  }
0x1c: {  	p1 =	slt.u32 s9, $0xF7A;
	s5 =	simm.s32 @!p2 $0x0  }
0x1d: {  	s5 =	simm.s32 @p1 $0x1;
	p0 =	seq.s32 s7, s2  }
0x1e: {  	s7 =	smul.u32 @!p0 $0xF7A, s2;
	p2 =	seq.s32 @!p0 s5, $0x0  }
0x1f: {  	s9 =	smul.u32 $0xF7A, s1;
	s8 =	simm.s32 @!p0 $0x1BF5;
	p2 =	por !p2, p0  }
0x20: {  	[sflag:s8] =	ssyncset.s32 @!p0 $0xFFFFF086;
	s6 =	sadd.s32 @!p0 s3, s7;
	s7 =	simm.s32 @!p0 $0x108  }
0x21: {  	s3 =	sadd.s32 s3, s9;
	s6 =	sadd.s32 @!p0 $0x88, s6;
	s7 =	simm.s32 @p2 $0x1082  }
0x22: {  	[simem:s7], [sflag:s8] =	dma.local @!p0 [hbm:s6], $0xF7A  }
0x23: {  	s9 =	sor.u32 $0xD0000000, s2;
	s6 =	simm.s32 $0x108;
	_ =	swait.ge @!p0 [sflag:s8], $0x0  }
0x24: {  	s3 =	sadd.s32 $0x88, s3;
	s6 =	simm.s32 @!p1 $0x1082;
	[sflag:s4] =	ssyncset.s32 $0xFFFFF086  }
0x25: {  	[simem:s6], [sflag:s4] =	dma.local [hbm:s3], $0xF7A  }
0x26: {  	[smem:$0x3F97] =	sst s1;
	(tag) =	ssettag s2;
	_ =	strace s9  }
0x27: {  	s1 =	sld [smem:$0x3FA7]  }
0x28: {  	s2 =	sld [smem:$0x3FA8]  }
0x29: {  	s4 =	sld [smem:$0x3FAA]  }
0x2a: {  	p0 =	seq.s32 s5, $0x0;
	s5 =	sld [smem:$0x3FAB]  }
0x2b: {  	s6 =	sld [smem:$0x3FAC]  }
0x2c: {  	s7 =	sld [smem:$0x3FAD]  }
0x2d: {  	s3 =	simm.s32 $0x108;
	s8 =	sld [smem:$0x3FAE]  }
0x2e: {  	s3 =	simm.s32 @!p0 $0x1082;
	s9 =	sld [smem:$0x3FAF]  }
0x2f: {  	lr =	sadd.s32 s0, s3;
	s0 =	sld [smem:$0x3FA6]  }
0x30: {  	s3 =	sld [smem:$0x3FA9]  }
0x31: {  	[smem:$0x3FB2] =	sst s10  }
0x32: {  	s10 =	sld [smem:$0x3FB0];
	_ =	sdelay $0x3  }
0x33: {  	p0 =	seq.s32 s10, $0x1;
	s10 =	sld [smem:$0x3FB2];
	_ =	sdelay $0x3  }
0x34: {  	[smem:$0x3FB2] =	sst s10  }
0x35: {  	s10 =	sld [smem:$0x3FB1];
	_ =	sdelay $0x3  }
0x36: {  	p1 =	seq.s32 s10, $0x1;
	s10 =	sld [smem:$0x3FB2];
	_ =	sdelay $0x3  }
0x37: {  	[smem:$0x3FB2] =	sst s10  }
0x38: {  	s10 =	sld [smem:$0x3FB3]  }
0x39: {  	_ = 	snop;
	(pc) =	sbr.ind lr, $3  }
0x3a: {  	_ = 	snop  }
0x3b: {  	_ = 	snop  }
0x3c: {  	p2 =	seq.s32 s10, $0x1;
	s10 =	sld [smem:$0x3FB2]  }
0x3d: {  	_ =	shalt  }
0x3e: {  	_ =	shalt  }
0x3f: {  	_ =	shalt  }
0x40: {  	_ =	shalt  }
0x41: {  	_ =	shalt  }
0x42: {  	_ =	shalt  }
0x43: {  	_ =	shalt  }
0x44: {  	_ =	shalt  }
0x45: {  	_ =	shalt  }
0x46: {  	_ =	shalt  }
0x47: {  	_ =	shalt  }
0x48: {  	_ =	shalt  }
0x49: {  	_ =	shalt  }
0x4a: {  	_ =	shalt  }
0x4b: {  	_ =	shalt  }
0x4c: {  	_ =	shalt  }
0x4d: {  	_ =	shalt  }
0x4e: {  	_ =	shalt  }
0x4f: {  	_ =	shalt  }
0x50: {  	_ =	shalt  }
0x51: {  	_ =	shalt  }
0x52: {  	_ =	shalt  }
0x53: {  	_ =	shalt  }
0x54: {  	_ =	shalt  }
0x55: {  	_ =	shalt  }
0x56: {  	_ =	shalt  }
0x57: {  	_ =	shalt  }
0x58: {  	_ =	shalt  }
0x59: {  	_ =	shalt  }
0x5a: {  	_ =	shalt  }
0x5b: {  	_ =	shalt  }
0x5c: {  	_ =	shalt  }
0x5d: {  	_ =	shalt  }
0x5e: {  	_ =	shalt  }
0x5f: {  	_ =	shalt  }
0x60: {  	_ =	shalt  }
0x61: {  	_ =	shalt  }
0x62: {  	_ =	shalt  }
0x63: {  	_ =	shalt  }
0x64: {  	_ =	shalt  }
0x65: {  	_ =	shalt  }
0x66: {  	_ =	shalt  }
0x67: {  	_ =	shalt  }
0x68: {  	_ =	shalt  }
0x69: {  	_ =	shalt  }
0x6a: {  	_ =	shalt  }
0x6b: {  	_ =	shalt  }
0x6c: {  	_ =	shalt  }
0x6d: {  	_ =	shalt  }
0x6e: {  	_ =	shalt  }
0x6f: {  	_ =	shalt  }
0x70: {  	_ =	shalt  }
0x71: {  	_ =	shalt  }
0x72: {  	_ =	shalt  }
0x73: {  	_ =	shalt  }
0x74: {  	_ =	shalt  }
0x75: {  	_ =	shalt  }
0x76: {  	_ =	shalt  }
0x77: {  	_ =	shalt  }
0x78: {  	_ =	shalt  }
0x79: {  	_ =	shalt  }
0x7a: {  	_ =	shalt  }
0x7b: {  	_ =	shalt  }
0x7c: {  	_ =	shalt  }
0x7d: {  	_ =	shalt  }
0x7e: {  	_ =	shalt  }
0x7f: {  	_ =	shalt  }
0x80: {  	_ =	shalt  }
0x81: {  	_ =	shalt  }
0x82: {  	_ =	shalt  }
0x83: {  	_ =	shalt  }
0x84: {  	_ =	shalt  }
0x85: {  	_ =	shalt  }
0x86: {  	_ =	shalt  }
0x87: {  	_ =	shalt  }
.Lfunc_end0:
.L_simem_size_0:
called_computation.1_lowered:
.L_overlay_start_0:
0x88: {  	s2 =	sld [smem:$0x3FD9]  }
0x89: {  	s3 =	sld [smem:$0x3FFE];
	_ =	sdelay $0x1  }
0x8a: {  	s1 =	srdreg.scid  }
0x8b: {  	s0 =	sand.u32 $0x1, s1  }
0x8c: {  	s16 =	sshll.u32 s0, $0xA;
	s2 =	sadd.s32 s3, s2  }
0x8d: {  	s2 =	sadd.s32 s2, s16  }
0x8e: {  	[smem:$0x3FBE] =	sst s2  }
0x8f: {  	_ = 	snop  }
0x90: {  	(tm) =	ssettm $0x1  }
0x91: {  	s17 =	sld [smem:$0x3FFB];
	_ =	sdelay $0x3  }
0x92: {  	_ =	strace s17  }
0x93: {  	s2 =	sld [smem:$0x3FFC];
	_ =	sdelay $0x3  }
0x94: {  	_ =	strace s2  }
0x95: {  	s2 =	sld [smem:$0x3FFD];
	_ =	sdelay $0x3  }
0x96: {  	_ =	strace s2  }
0x97: {  	_ =	strace $0x8FFFFFFF  }
0x98: {  	s18 =	sld [smem:$0x3FDB];
	_ =	sdelay $0x1  }
0x99: {  	s19 =	simm.s32 $_scs_section_size  }
0x9a: {  	s4 =	simm.s32 $_size__tile_overlayer_lowered;
	s5 =	simm.s32 $_tile_overlayer_lowered  }
0x9b: {  	s22 =	simm.s32 $0x1BFF;
	s21 =	sshll.u32 s5, $0x1;
	s2 =	sadd.s32 s19, s18  }
0x9c: {  	s6 =	simm.s32 $0x0;
	s20 =	sshll.u32 s4, $0x1;
	s4 =	sadd.s32 s21, s2  }
0x9d: {  	[timem:s6], [sflag:s22] =	dma.local [hbm:s4], s20  }
0x9e: {  	_ =	swait.ge [sflag:s22], s20  }
0x9f: {  	s3 =	ssub.s32 $0x0, s20;
	[sflag:s22] =	ssyncset.done $0x0  }
0xa0: {  	[sflag:s22] =	ssyncadd.s32 s3;
	_ =	sdelay $0x1  }
0xa1: {  	s23 =	simm.s32 $0x1B8B  }
0xa2: {  	_ =	swait.ge [sflag:s23], $0x1  }
0xa3: {  	[sflag:s23] =	ssyncset.done $0x0  }
0xa4: {  	s25 =	simm.s32 $0x1B8E;
	s24 =	sld [smem:$0x3FFE];
	[sflag:s23] =	ssyncadd.s32 $0xFFFFFFFF  }
0xa5: {  	s26 =	simm.s32 $execute0_lowered;
	[smem:$0x3FD2] =	sst s25  }
0xa6: {  	s4 =	sshll.u32 s26, $0x1;
	_ =	strace $0x80000046;
	[dreg:$0x1] =	wrdreg $0xFFFFFFFF  }
0xa7: {  	s28 =	simm.s32 $_size_execute0_lowered;
	s2 =	sadd.s32 s2, s4;
	[dreg:$0x0] =	wrdreg $0x0  }
0xa8: {  	s4 =	sshll.u32 s28, $0x1;
	[dreg:$0x2] =	wrdreg s2  }
0xa9: {  	[dreg:$0x3] =	wrdreg s4  }
0xaa: {  	[dreg:$0x4] =	wrdreg $0xC0  }
0xab: {  	_ =	task [dreg:s6], $0x5FFFF  }
0xac: {  	[dreg:$0x1] =	wrdreg $0xFFFFFFFF  }
0xad: {  	[dreg:$0x0] =	wrdreg $0x60  }
0xae: {  	[dreg:$0x2] =	wrdreg s24  }
0xaf: {  	[dreg:$0x3] =	wrdreg $0x9  }
0xb0: {  	_ =	task.clear_ibuf [dreg:s6], $0x4FFFF;
	_ =	strace $0x90000046  }
0xb1: {  	s29 =	simm.s32 $0x9;
	_ =	strace $0x80000048  }
0xb2: {  	_ =	swait.ge [sflag:s29], $0x1  }
0xb3: {  	[sflag:s29] =	ssyncadd.s32 $0xFFFFFFFF  }
0xb4: {  	_ =	strace $0x90000048  }
0xb5: {  	_ =	sfence  }
0xb6: {  	s30 =	sld [smem:$0x0];
	_ =	sdelay $0x2  }
0xb7: {  	s31 =	sshll.u32 s1, $0xD;
	s1 =	sshrl.u32 s1, $0x2  }
0xb8: {  	s3 =	sand.u32 $0x4000, s31;
	s1 =	sadd.s32 s1, s30  }
0xb9: {  	s0 =	sor.u32 s3, s0;
	s1 =	sshll.u32 s1, $0x11  }
0xba: {  	s0 =	sor.u32 s1, s0  }
0xbb: {  	s0 =	sadd.s32 $0x8F2B, s0  }
0xbc: {  	[sflag:s0] =	ssyncadd.remote.s32 $0x1  }
0xbd: {  	_ =	sfence.sel $0xFFFF  }
0xbe: {  	[dreg:$0x0] =	wrdreg $0xFFFFFFFF;
	(pc) =	sbr.abs _section_cstart, $3  }
0xbf: {  	[dreg:$0x1] =	wrdreg $0xFFFFFFFF  }
0xc0: {  	_ =	task.clear_ibuf [dreg:s6], $0x2FFFF;
	_ =	strace $0x9FFFFFFF  }
0xc1: {  	(tm) =	ssettm $0x7FFFFFFF  }
tec
execute0_lowered:
.L_overlay_start_1:
0x0: {  	(tag) =	ssettag $0x1  }
0x1: {  	s2 =	rddreg [dreg:$0x0]  }
0x2: {  	s0 =	rddreg [dreg:$0x1];
	s1 =	stileid.u32  }
0x3: {  	s3 =	srdreg.scid;
	_ =	strace $0x80000047;
	s4 =	simm.s32 $0x1  }
0x4: {  	s7 =	simm.s32 $0x1;
	s8 =	simm.s32 $0x1;
	s9 =	simm.s32 $0x3  }
0x5: {  	s10 =	simm.s32 $0x0;
	s5 =	sand.u32 $0x1, s3;
	s6 =	sshll.u32 s1, $0x1  }
0x6: {  	s13 =	simm.s32 $0x0;
	s12 =	simm.s32 $0x0;
	s5 =	sor.u32 s6, s5  }
.Ltmp0:
0x7: {  	[sflag:s4] =	ssyncpa.u1 $0x0;
	p0 =	slt.u32 s5, $0x9;
	(pc) =	sbr.rel .LBB2_1-.Ltmp0, $4  }
0x8: {  	s6 =	simm.s32 $0x2;
	s7 =	simm.s32 @!p0 $0x0;
	p0 =	sne.s32 s5, $0x8  }
0x9: {  	[sflag:s6] =	ssyncpa.u1 $0x0;
	s5 =	smul.u32 $0xFA0, s5;
	s8 =	simm.s32 @!p0 $0x0  }
0xa: {  	s3 =	sadd.s32 $0xF000, s2;
	[sflag:s9] =	ssyncpa.u1 $0x0;
	s7 =	sadd.s32 s8, s7  }
0xb: {  	vm0 =	vmmov $0xffff;
	s8 =	sadd.s32 $0x22400, s2;
	s11 =	smov.u32 s5;
	s9 =	sadd.s32 $0x1, s7  }
.LBB2_4:
0xc: {  	v2 =	vnsel vm1, $0x0, v2  }
0xd: {  	vm1 =	vgt.s32 v0, $0x0;
	v2 =	vmin.u32 v2, $0x270FF  }
0xe: {  	v0 =	vnsel vm1, $0x0, v0  }
0xf: {  	v0 =	vmin.u32 v0, $0x270FF  }
0x10: {  	[tilespmem:s18], [sflag:$0x1] =	stream.indirect_vreg.gather [hbm4b:s2+s10], $0x1, v1, vm0, $0x4038;
	[tilespmem:$0x3E80] =	vst v63  }
0x11: {  	(ifvalue) =	ssetifvalue $0x7FFFFFFF  }
0x12: {  	[tilespmem:s15], [sflag:$0x1] =	stream.indirect_vreg.gather [hbm4b:s2+s10], $0x1, v2, vm0, $0x4038;
	[tilespmem:$0x3E80] =	vst v63  }
0x13: {  	s29 =	sadd.s32 $0x10, s15;
	(ifvalue) =	ssetifvalue $0x7FFFFFFF  }
0x14: {  	[tilespmem:s29], [sflag:$0x1] =	stream.indirect_vreg.gather [hbm4b:s2+s10], $0x1, v0, vm0, $0x4038;
	[tilespmem:$0x3E80] =	vst v63  }
0x15: {  	_ =	swait.ge [sflag:s4], $0xFA0  }
0x16: {  	s30 =	sshrl.u32 s13, $0x3;
	[sflag:s4] =	ssyncset.done $0x0  }
0x17: {  	s31 =	sand.u32 $0x7, s13;
	s15 =	sadd.s32 s8, s30;
	[sflag:s4] =	ssyncadd.s32 $0xFFFFF060  }
0x18: {  	[hbm4b:s15+s31] =	stream.linear.scatter [tilespmem:s14], [sflag:$0x3], $0xFA0, $0x38;
	[tilespmem:$0x3E80] =	vst v63  }
.LBB2_5:
0x19: {  	s15 =	sadd.s32 $0x1F400, s11  }
0x1a: {  	p1 =	sgt.s32 s15, $0x270FF  }
0x1b: {  	s15 =	smov.u32 @p1 s5;
	p1 =	sne.s32 s12, s9  }
.Ltmp1:
0x1c: {  	p0 =	slt.u32 s12, $0x2;
	(pc) =	sbr.rel @!p1 .LBB2_6-.Ltmp1, $4  }
0x1d: {  	s14 =	simm.s32 @!p0 $0x3  }
0x1e: {  	_ =	swait.ge @!p0 [sflag:s14], $0xFA0  }
0x1f: {  	s16 =	sadd.s32 $0x1, s12;
	s13 =	smov.u32 s11;
	[sflag:s14] =	ssyncset.done @!p0 $0x0  }
0x20: {  	s12 =	smov.u32 s16;
	s11 =	smov.u32 s15;
	[sflag:s14] =	ssyncadd.s32 @!p0 $0xFFFFF060  }
.LBB2_1:
0x21: {  	p0 =	sge.u32 s12, s7  }
0x22: {  	s14 =	sxor.u32 @!p0 $0x1, s12  }
0x23: {  	s14 =	smul.u32 @!p0 $0x3E80, s14  }
0x24: {  	s31 =	sadd.s32 $0xFFFFFFFF, s12;
	s15 =	sshrl.u32 @!p0 s11, $0x3  }
0x25: {  	s16 =	sand.u32 @!p0 $0x7, s11;
	s15 =	sadd.s32 @!p0 s3, s15;
	s14 =	sshra.s32 @!p0 s14, $0x2  }
0x26: {  	[tilespmem:s14], [sflag:$0x2] =	stream.linear.gather @!p0 [hbm4b:s15+s16], $0xFA0, $0x38;
	[tilespmem:$0x3E80] =	vst v63  }
0x27: {  	p0 =	sge.u32 s31, s7  }
.Ltmp2:
0x28: {  	_ = 	snop;
	(pc) =	sbr.rel @p0 .LBB2_5-.Ltmp2, $1  }
0x29: {  	_ =	sdelay $0x3  }
0x2a: {  	s14 =	sand.u32 $0x1, s12  }
0x2b: {  	_ =	swait.ge [sflag:s6], $0xFA0;
	p0 =	seq.s32 s14, $0x1;
	s14 =	simm.s32 $0xFA0  }
0x2c: {  	[sflag:s6] =	ssyncset.done $0x0;
	s14 =	simm.s32 @!p0 $0x0  }
0x2d: {  	[sflag:s6] =	ssyncadd.s32 $0xFFFFF060;
	(ifvalue) =	ssetifvalue $0x7FFFFFFF;
	v0 =	vld.msk [tilespmem:s14+$0x0 ss:$0x1], $0xffff;
	_ =	sdelay $0x4  }
0x2e: {  	s15 =	sadd.s32 $0x10, s14;
	vm1 =	vgt.s32 v0, $0x0  }
0x2f: {  	v2 =	vld.msk [tilespmem:s15+$0x0 ss:$0x1], $0xffff;
	v1 =	vnsel vm1, $0x0, v0  }
0x30: {  	v1 =	vmin.u32 v1, $0x270FF;
	_ =	sdelay $0x2  }
0x31: {  	s17 =	simm.s32 $0x20;
	s14 =	sadd.s32 $0x1F40, s14;
	s16 =	sadd.s32 $0x10, s15  }
0x32: {  	s15 =	sadd.s32 $0x10, s14;
	s18 =	smov.u32 s14;
	v0 =	vld.msk [tilespmem:s16+$0x0 ss:$0x1], $0xffff;
	vm1 =	vgt.s32 v2, $0x0;
	(ifvalue) =	ssetifvalue $0x7FFFFFFF  }
.LBB2_3:
0x33: {  	[tilespmem:s18], [sflag:$0x1] =	stream.indirect_vreg.gather [hbm4b:s2+s10], $0x1, v1, vm0, $0x4038;
	[tilespmem:$0x3E80] =	vst v63  }
0x34: {  	s17 =	sadd.s32 $0x10, s17  }
0x35: {  	v2 =	vnsel vm1, $0x0, v2;
	p0 =	slt.u32 s17, $0xF90  }
.Ltmp3:
0x36: {  	s18 =	smov.u32 s15;
	v1 =	vmin.u32 v2, $0x270FF;
	(pc) =	sbr.rel @p0 .LBB2_3-.Ltmp3, $3  }
0x37: {  	_ =	sdelay $0x1  }
0x38: {  	s16 =	sadd.s32 $0x10, s16  }
0x39: {  	vm1 =	vgt.s32 v0, $0x0;
	s15 =	sadd.s32 $0x10, s15;
	v2 =	vmov v0;
	(ifvalue) =	ssetifvalue $0x7FFFFFFF;
	v0 =	vld.msk [tilespmem:s16+$0x0 ss:$0x1], $0xffff  }
.Ltmp4:
0x3a: {  	_ = 	snop;
	(pc) =	sbr.rel .LBB2_4-.Ltmp4, $1  }
0x3b: {  	_ =	sdelay $0x3  }
.LBB2_6:
0x3c: {  	_ =	sfence.sel $0x180000  }
0x3d: {  	s2 =	simm.s32 $0x2;
	[bflag:$0x0] =	sbarrier.arrive $0xFFFF  }
0x3e: {  	s30 =	simm.s32 $0x3;
	[sflag:s2] =	ssyncpa.u1 $0x1  }
0x3f: {  	s31 =	simm.s32 $0x1;
	[sflag:s30] =	ssyncpa.u1 $0x1  }
0x40: {  	[sflag:s31] =	ssyncpa.u1 $0x1  }
0x41: {  	p0 =	sne.s32 s1, $0x0;
	_ =	strace $0x90000047  }
0x42: {  	s0 =	sadd.s32 @!p0 $0x100000, s0;
	[bflag:$0x2] =	sbarrier.arrive $0xFFFF  }
0x43: {  	[sflag:s0] =	ssyncadd.tile.s32 @!p0 $0x1;
	_ =	shalt  }
.Lfunc_end2:
_tile_overlayer_lowered:
.L_overlay_start_2:
0x44: {  	(tag) =	ssettag $0x2  }
0x45: {  	s0 =	rddreg [dreg:$0x0];
	s2 =	stileid.u32  }
0x46: {  	s1 =	rddreg [dreg:$0x1];
	p0 =	sne.s32 s2, $0x0  }
0x47: {  	s3 =	rddreg [dreg:$0x2];
	[bflag:$0x3] =	sbarrier.arrive $0xFFFF;
	s2 =	simm.s32 @!p0 $0x1C01  }
0x48: {  	[timem:s3], [sflag:s2] =	dma.local @!p0 [hbm:s0], s1  }
0x49: {  	s0 =	simm.s32 @!p0 $0x1  }
0x4a: {  	_ =	swait.ge @!p0 [sflag:s0], s1  }
0x4b: {  	s1 =	ssub.s32 @!p0 $0x0, s1;
	[sflag:s0] =	ssyncset.done @!p0 $0x0  }
0x4c: {  	[sflag:s0] =	ssyncadd.s32 @!p0 s1  }
0x4d: {  	[bflag:$0x3] =	sbarrier.arrive $0xFFFF  }
0x4e: {  	_ =	shalt  }

// kernel: scatter_offload_async_start
scs
__scs_entry_jumppad:
0x0: {  	(pc) =	sbr.rel $0x88, $3  }
0x1: {  	(tag) =	ssettag $0x0;
	lr =	simm.s32 $0x1  }
0x2: {  	[smem:$0x3F97] =	sst lr;
	_ =	strace $0xD0000000  }
0x3: {  	_ = 	snop  }
0x4: {  	_ = 	snop  }
0x5: {  	_ = 	snop  }
0x6: {  	_ = 	snop  }
0x7: {  	_ = 	snop  }
__scs_overlays_trampoline_lowered:
0x8: {  	[smem:$0x3FA6] =	sst s0  }
0x9: {  	[smem:$0x3FA7] =	sst s1  }
0xa: {  	[smem:$0x3FA8] =	sst s2  }
0xb: {  	[smem:$0x3FA9] =	sst s3  }
0xc: {  	[smem:$0x3FAA] =	sst s4  }
0xd: {  	[smem:$0x3FAB] =	sst s5  }
0xe: {  	[smem:$0x3FAC] =	sst s6  }
0xf: {  	[smem:$0x3FAD] =	sst s7  }
0x10: {  	[smem:$0x3FAE] =	sst s8  }
0x11: {  	[smem:$0x3FAF] =	sst s9;
	s0 =	simm.s32 @!p0 $0x0  }
0x12: {  	s1 =	sld [smem:$0x3F95];
	s0 =	simm.s32 @p0 $0x1  }
0x13: {  	[smem:$0x3FB0] =	sst s0;
	s0 =	simm.s32 @!p1 $0x0  }
0x14: {  	s2 =	sld [smem:$0x3F94];
	s0 =	simm.s32 @p1 $0x1  }
0x15: {  	[smem:$0x3FB1] =	sst s0;
	s0 =	simm.s32 @!p2 $0x0  }
0x16: {  	s3 =	sld [smem:$0x3FDB];
	s0 =	simm.s32 @p2 $0x1  }
0x17: {  	s4 =	simm.s32 $0x1BF5;
	[smem:$0x3FB3] =	sst s0  }
0x18: {  	s0 =	sld [smem:$0x3F96];
	_ =	swait.ge [sflag:s4], $0x0  }
0x19: {  	s7 =	sld [smem:$0x3F97]  }
0x1a: {  	s8 =	sadd.s32 $0xFFFFE003, lr  }
0x1b: {  	s9 =	sadd.s32 $0xFFFFFEF7, lr;
	s5 =	simm.s32 $0xFFFFFFFF;
	p2 =	slt.u32 s8, $0xFFFFF086  }
0x1c: {  	p1 =	slt.u32 s9, $0xF7A;
	s5 =	simm.s32 @!p2 $0x0  }
0x1d: {  	s5 =	simm.s32 @p1 $0x1;
	p0 =	seq.s32 s7, s2  }
0x1e: {  	s7 =	smul.u32 @!p0 $0xF7A, s2;
	p2 =	seq.s32 @!p0 s5, $0x0  }
0x1f: {  	s9 =	smul.u32 $0xF7A, s1;
	s8 =	simm.s32 @!p0 $0x1BF5;
	p2 =	por !p2, p0  }
0x20: {  	[sflag:s8] =	ssyncset.s32 @!p0 $0xFFFFF086;
	s6 =	sadd.s32 @!p0 s3, s7;
	s7 =	simm.s32 @!p0 $0x108  }
0x21: {  	s3 =	sadd.s32 s3, s9;
	s6 =	sadd.s32 @!p0 $0x88, s6;
	s7 =	simm.s32 @p2 $0x1082  }
0x22: {  	[simem:s7], [sflag:s8] =	dma.local @!p0 [hbm:s6], $0xF7A  }
0x23: {  	s9 =	sor.u32 $0xD0000000, s2;
	s6 =	simm.s32 $0x108;
	_ =	swait.ge @!p0 [sflag:s8], $0x0  }
0x24: {  	s3 =	sadd.s32 $0x88, s3;
	s6 =	simm.s32 @!p1 $0x1082;
	[sflag:s4] =	ssyncset.s32 $0xFFFFF086  }
0x25: {  	[simem:s6], [sflag:s4] =	dma.local [hbm:s3], $0xF7A  }
0x26: {  	[smem:$0x3F97] =	sst s1;
	(tag) =	ssettag s2;
	_ =	strace s9  }
0x27: {  	s1 =	sld [smem:$0x3FA7]  }
0x28: {  	s2 =	sld [smem:$0x3FA8]  }
0x29: {  	s4 =	sld [smem:$0x3FAA]  }
0x2a: {  	p0 =	seq.s32 s5, $0x0;
	s5 =	sld [smem:$0x3FAB]  }
0x2b: {  	s6 =	sld [smem:$0x3FAC]  }
0x2c: {  	s7 =	sld [smem:$0x3FAD]  }
0x2d: {  	s3 =	simm.s32 $0x108;
	s8 =	sld [smem:$0x3FAE]  }
0x2e: {  	s3 =	simm.s32 @!p0 $0x1082;
	s9 =	sld [smem:$0x3FAF]  }
0x2f: {  	lr =	sadd.s32 s0, s3;
	s0 =	sld [smem:$0x3FA6]  }
0x30: {  	s3 =	sld [smem:$0x3FA9]  }
0x31: {  	[smem:$0x3FB2] =	sst s10  }
0x32: {  	s10 =	sld [smem:$0x3FB0];
	_ =	sdelay $0x3  }
0x33: {  	p0 =	seq.s32 s10, $0x1;
	s10 =	sld [smem:$0x3FB2];
	_ =	sdelay $0x3  }
0x34: {  	[smem:$0x3FB2] =	sst s10  }
0x35: {  	s10 =	sld [smem:$0x3FB1];
	_ =	sdelay $0x3  }
0x36: {  	p1 =	seq.s32 s10, $0x1;
	s10 =	sld [smem:$0x3FB2];
	_ =	sdelay $0x3  }
0x37: {  	[smem:$0x3FB2] =	sst s10  }
0x38: {  	s10 =	sld [smem:$0x3FB3]  }
0x39: {  	_ = 	snop;
	(pc) =	sbr.ind lr, $3  }
0x3a: {  	_ = 	snop  }
0x3b: {  	_ = 	snop  }
0x3c: {  	p2 =	seq.s32 s10, $0x1;
	s10 =	sld [smem:$0x3FB2]  }
0x3d: {  	_ =	shalt  }
0x3e: {  	_ =	shalt  }
0x3f: {  	_ =	shalt  }
0x40: {  	_ =	shalt  }
0x41: {  	_ =	shalt  }
0x42: {  	_ =	shalt  }
0x43: {  	_ =	shalt  }
0x44: {  	_ =	shalt  }
0x45: {  	_ =	shalt  }
0x46: {  	_ =	shalt  }
0x47: {  	_ =	shalt  }
0x48: {  	_ =	shalt  }
0x49: {  	_ =	shalt  }
0x4a: {  	_ =	shalt  }
0x4b: {  	_ =	shalt  }
0x4c: {  	_ =	shalt  }
0x4d: {  	_ =	shalt  }
0x4e: {  	_ =	shalt  }
0x4f: {  	_ =	shalt  }
0x50: {  	_ =	shalt  }
0x51: {  	_ =	shalt  }
0x52: {  	_ =	shalt  }
0x53: {  	_ =	shalt  }
0x54: {  	_ =	shalt  }
0x55: {  	_ =	shalt  }
0x56: {  	_ =	shalt  }
0x57: {  	_ =	shalt  }
0x58: {  	_ =	shalt  }
0x59: {  	_ =	shalt  }
0x5a: {  	_ =	shalt  }
0x5b: {  	_ =	shalt  }
0x5c: {  	_ =	shalt  }
0x5d: {  	_ =	shalt  }
0x5e: {  	_ =	shalt  }
0x5f: {  	_ =	shalt  }
0x60: {  	_ =	shalt  }
0x61: {  	_ =	shalt  }
0x62: {  	_ =	shalt  }
0x63: {  	_ =	shalt  }
0x64: {  	_ =	shalt  }
0x65: {  	_ =	shalt  }
0x66: {  	_ =	shalt  }
0x67: {  	_ =	shalt  }
0x68: {  	_ =	shalt  }
0x69: {  	_ =	shalt  }
0x6a: {  	_ =	shalt  }
0x6b: {  	_ =	shalt  }
0x6c: {  	_ =	shalt  }
0x6d: {  	_ =	shalt  }
0x6e: {  	_ =	shalt  }
0x6f: {  	_ =	shalt  }
0x70: {  	_ =	shalt  }
0x71: {  	_ =	shalt  }
0x72: {  	_ =	shalt  }
0x73: {  	_ =	shalt  }
0x74: {  	_ =	shalt  }
0x75: {  	_ =	shalt  }
0x76: {  	_ =	shalt  }
0x77: {  	_ =	shalt  }
0x78: {  	_ =	shalt  }
0x79: {  	_ =	shalt  }
0x7a: {  	_ =	shalt  }
0x7b: {  	_ =	shalt  }
0x7c: {  	_ =	shalt  }
0x7d: {  	_ =	shalt  }
0x7e: {  	_ =	shalt  }
0x7f: {  	_ =	shalt  }
0x80: {  	_ =	shalt  }
0x81: {  	_ =	shalt  }
0x82: {  	_ =	shalt  }
0x83: {  	_ =	shalt  }
0x84: {  	_ =	shalt  }
0x85: {  	_ =	shalt  }
0x86: {  	_ =	shalt  }
0x87: {  	_ =	shalt  }
.Lfunc_end0:
.L_simem_size_0:
called_computation_lowered:
.L_overlay_start_0:
0x88: {  	s0 =	sld [smem:$0x3FD9]  }
0x89: {  	s1 =	sld [smem:$0x3FFE];
	_ =	sdelay $0x3  }
0x8a: {  	s0 =	sadd.s32 s1, s0  }
0x8b: {  	[smem:$0x3FBE] =	sst s0  }
0x8c: {  	_ = 	snop  }
0x8d: {  	(tm) =	ssettm $0x1  }
0x8e: {  	s15 =	sld [smem:$0x3FFB];
	_ =	sdelay $0x3  }
0x8f: {  	_ =	strace s15  }
0x90: {  	s0 =	sld [smem:$0x3FFC];
	_ =	sdelay $0x3  }
0x91: {  	_ =	strace s0  }
0x92: {  	s0 =	sld [smem:$0x3FFD];
	_ =	sdelay $0x3  }
0x93: {  	_ =	strace s0  }
0x94: {  	_ =	strace $0x8FFFFFFF  }
0x95: {  	s16 =	sld [smem:$0x3FDB];
	_ =	sdelay $0x1  }
0x96: {  	s17 =	simm.s32 $_scs_section_size  }
0x97: {  	s2 =	simm.s32 $_size__tile_overlayer_lowered;
	s3 =	simm.s32 $_tile_overlayer_lowered  }
0x98: {  	s20 =	simm.s32 $0x1BFF;
	s19 =	sshll.u32 s3, $0x1;
	s0 =	sadd.s32 s17, s16  }
0x99: {  	s4 =	simm.s32 $0x0;
	s18 =	sshll.u32 s2, $0x1;
	s2 =	sadd.s32 s19, s0  }
0x9a: {  	[timem:s4], [sflag:s20] =	dma.local [hbm:s2], s18  }
0x9b: {  	_ =	swait.ge [sflag:s20], s18  }
0x9c: {  	s1 =	ssub.s32 $0x0, s18;
	[sflag:s20] =	ssyncset.done $0x0  }
0x9d: {  	[sflag:s20] =	ssyncadd.s32 s1;
	_ =	sdelay $0x1  }
0x9e: {  	s21 =	simm.s32 $0x1B8B  }
0x9f: {  	_ =	swait.ge [sflag:s21], $0x1  }
0xa0: {  	[sflag:s21] =	ssyncset.done $0x0  }
0xa1: {  	s23 =	simm.s32 $0x1B8E;
	s22 =	sld [smem:$0x3FFE];
	[sflag:s21] =	ssyncadd.s32 $0xFFFFFFFF  }
0xa2: {  	s24 =	simm.s32 $execute0_lowered;
	[smem:$0x3FD2] =	sst s23  }
0xa3: {  	s2 =	sshll.u32 s24, $0x1;
	_ =	strace $0x80000049;
	[dreg:$0x1] =	wrdreg $0xFFFFFFFF  }
0xa4: {  	s25 =	simm.s32 $_size_execute0_lowered;
	s0 =	sadd.s32 s0, s2;
	[dreg:$0x0] =	wrdreg $0x0  }
0xa5: {  	s2 =	sshll.u32 s25, $0x1;
	[dreg:$0x2] =	wrdreg s0  }
0xa6: {  	[dreg:$0x3] =	wrdreg s2  }
0xa7: {  	[dreg:$0x4] =	wrdreg $0xC0  }
0xa8: {  	_ =	task [dreg:s4], $0x5FFFF  }
0xa9: {  	[dreg:$0x1] =	wrdreg $0xFFFFFFFF  }
0xaa: {  	[dreg:$0x0] =	wrdreg $0x60  }
0xab: {  	[dreg:$0x2] =	wrdreg s22  }
0xac: {  	[dreg:$0x3] =	wrdreg $0x9  }
0xad: {  	_ =	task.clear_ibuf [dreg:s4], $0x4FFFF;
	_ =	strace $0x90000049  }
0xae: {  	s26 =	simm.s32 $0x9;
	_ =	strace $0x8000004B  }
0xaf: {  	_ =	swait.ge [sflag:s26], $0x1  }
0xb0: {  	[sflag:s26] =	ssyncadd.s32 $0xFFFFFFFF  }
0xb1: {  	_ =	strace $0x9000004B  }
0xb2: {  	_ =	sfence  }
0xb3: {  	s28 =	sld [smem:$0x0];
	_ =	sdelay $0x1  }
0xb4: {  	s29 =	srdreg.scid  }
0xb5: {  	s30 =	sshll.u32 s29, $0xD;
	s31 =	sshrl.u32 s29, $0x2  }
0xb6: {  	s1 =	sand.u32 $0x1, s29;
	s2 =	sand.u32 $0x4000, s30;
	s0 =	sadd.s32 s31, s28  }
0xb7: {  	s1 =	sor.u32 s2, s1;
	s0 =	sshll.u32 s0, $0x11  }
0xb8: {  	s0 =	sor.u32 s0, s1  }
0xb9: {  	s0 =	sadd.s32 $0x8F2B, s0  }
0xba: {  	[sflag:s0] =	ssyncadd.remote.s32 $0x1  }
0xbb: {  	_ =	sfence.sel $0xFFFF  }
0xbc: {  	[dreg:$0x0] =	wrdreg $0xFFFFFFFF;
	(pc) =	sbr.abs _section_cstart, $3  }
0xbd: {  	[dreg:$0x1] =	wrdreg $0xFFFFFFFF  }
0xbe: {  	_ =	task.clear_ibuf [dreg:s4], $0x2FFFF;
	_ =	strace $0x9FFFFFFF  }
0xbf: {  	(tm) =	ssettm $0x7FFFFFFF  }
tec
execute0_lowered:
.L_overlay_start_1:
0x0: {  	(tag) =	ssettag $0x1  }
0x1: {  	s7 =	rddreg [dreg:$0x0]  }
0x2: {  	s0 =	rddreg [dreg:$0x1]  }
0x3: {  	_ =	strace $0x8000004A;
	s3 =	stileid.u32;
	s4 =	simm.s32 $0x3E  }
0x4: {  	s1 =	sadd.s32 $0x22400, s7;
	p0 =	sne.s32 s3, $0x0;
	[sflag:s4] =	ssyncpa.u1 $0x0  }
0x5: {  	s30 =	smin.u32 s3, $0x4;
	s2 =	simm.s32 @!p0 $0x1C3E;
	s5 =	simm.s32 @!p0 $0x0  }
0x6: {  	[spmem:s5], [sflag:s2] =	dma.local @!p0 [hbm:s1], $0x500  }
0x7: {  	s2 =	sadd.s32 s3, s30  }
0x8: {  	p1 =	slt.u32 s3, $0x4;
	s3 =	simm.s32 $0x3E80;
	s2 =	smul.u32 $0x1F40, s2  }
0x9: {  	s3 =	simm.s32 @!p1 $0x1F40  }
0xa: {  	s3 =	sadd.s32 s3, s2  }
0xb: {  	s3 =	smin.u32 s3, $0x27100  }
0xc: {  	s8 =	ssub.s32 s3, s2  }
0xd: {  	p1 =	sgt.s32 s8, $0x0  }
0xe: {  	s8 =	simm.s32 @!p1 $0x0  }
0xf: {  	s5 =	simm.s32 @!p0 $0x3E;
	s31 =	smulhi.u32 $0x10624DD3, s8  }
0x10: {  	_ =	swait.ge @!p0 [sflag:s5], $0x500  }
0x11: {  	s6 =	simm.s32 $0x2;
	[sflag:s5] =	ssyncset.done @!p0 $0x0;
	s9 =	sshrl.u32 s31, $0x9  }
0x12: {  	s11 =	simm.s32 $0x0;
	[sflag:s5] =	ssyncadd.s32 @!p0 $0xFFFFFB00;
	s10 =	smul.u32 $0x1F40, s9  }
.Ltmp0:
0x13: {  	s5 =	sadd.s32 $0x5000, s7;
	[bflag:$0x0] =	sbarrier.arrive $0xFFFF;
	(pc) =	sbr.rel .LBB2_1-.Ltmp0, $4  }
0x14: {  	s7 =	sadd.s32 $0xF000, s7;
	[sflag:s4] =	ssyncpa.u1 $0x1;
	s4 =	simm.s32 $0x1  }
0x15: {  	[sflag:s4] =	ssyncpa.u1 $0x0;
	p1 =	sne.s32 s8, s10;
	s8 =	simm.s32 $0x1  }
0x16: {  	(ifvalue) =	ssetifvalue $0x2800;
	[sflag:s6] =	ssyncpa.u1 $0x0;
	s8 =	simm.s32 @!p1 $0x0  }
0x17: {  	vm0 =	vmmov $0xffff;
	s10 =	smov.u32 s2;
	s8 =	sadd.s32 s8, s9;
	s9 =	simm.s32 $0x0  }
.LBB2_5:
0x18: {  	p2 =	sne.s32 s11, s8  }
.Ltmp1:
0x19: {  	_ = 	snop;
	(pc) =	sbr.rel @!p2 .LBB2_6-.Ltmp1, $4  }
0x1a: {  	_ = 	snop  }
0x1b: {  	s12 =	sadd.s32 $0x1F40, s10  }
0x1c: {  	s10 =	smov.u32 s2;
	s13 =	sadd.s32 $0x1, s11;
	p1 =	slt.s32 s12, s3  }
0x1d: {  	s11 =	smov.u32 s13;
	s10 =	smov.u32 @p1 s12  }
.LBB2_1:
0x1e: {  	p1 =	sge.u32 s11, s8  }
0x1f: {  	s12 =	sxor.u32 @!p1 $0xFFFFFFFF, s11  }
0x20: {  	s12 =	sand.u32 @!p1 $0x1, s12  }
0x21: {  	s12 =	smul.u32 @!p1 $0x1F40, s12  }
0x22: {  	s13 =	sshrl.u32 @!p1 s10, $0x3  }
0x23: {  	s16 =	sand.u32 @!p1 $0x7, s10;
	s14 =	sadd.s32 @!p1 s5, s13;
	s15 =	sadd.s32 @!p1 $0x280, s12  }
0x24: {  	[tilespmem:s15], [sflag:$0x2] =	stream.linear.gather @!p1 [hbm4b:s14+s16], $0x1F40, $0x38;
	[tilespmem:$0x7F80] =	vst v63  }
0x25: {  	s13 =	sadd.s32 @!p1 s7, s13;
	s12 =	sadd.s32 @!p1 $0x4100, s12  }
0x26: {  	[tilespmem:s12], [sflag:$0x2] =	stream.linear.gather @!p1 [hbm4b:s13+s16], $0x1F40, $0x38;
	[tilespmem:$0x7F80] =	vst v63  }
0x27: {  	p1 =	seq.s32 s11, $0x0  }
.Ltmp2:
0x28: {  	_ = 	snop;
	(pc) =	sbr.rel @p1 .LBB2_5-.Ltmp2, $1  }
0x29: {  	_ =	sdelay $0x3  }
0x2a: {  	s12 =	sand.u32 $0x1, s11  }
0x2b: {  	_ =	swait.ge [sflag:s6], $0x3E80;
	p1 =	seq.s32 s12, $0x1;
	s12 =	simm.s32 $0x1F40  }
0x2c: {  	[sflag:s6] =	ssyncset.done $0x0;
	s12 =	simm.s32 @!p1 $0x0  }
0x2d: {  	[sflag:s6] =	ssyncadd.s32 $0xFFFFC180;
	s14 =	sadd.s32 $0x280, s12  }
0x2e: {  	v0 =	vld.msk [tilespmem:s14+$0x0 ss:$0x1], $0xffff;
	_ =	sdelay $0x4  }
0x2f: {  	v0 =	vmin.u32 v0, $0x2800;
	_ =	sdelay $0x3  }
0x30: {  	s13 =	simm.s32 $0x0;
	s12 =	sadd.s32 $0x4100, s12;
	s14 =	sadd.s32 $0x10, s14  }
0x31: {  	[spmem:s9] =	stream.indirect_vreg.scatter.add.s32 [tilespmem:s12], [sflag:$0x1], $0x1, v0, vm0, $0x4038;
	[tilespmem:$0x7F80] =	vst v63  }
.LBB2_3:
0x32: {  	v0 =	vld.msk [tilespmem:s14+$0x0 ss:$0x1], $0xffff;
	s13 =	sadd.s32 $0x10, s13  }
0x33: {  	p1 =	slt.u32 s13, $0x1F30;
	_ =	sdelay $0x4  }
0x34: {  	v0 =	vmin.u32 v0, $0x2800  }
.Ltmp3:
0x35: {  	(pc) =	sbr.rel @p1 .LBB2_3-.Ltmp3, $3  }
0x36: {  	_ =	sdelay $0x1  }
0x37: {  	s14 =	sadd.s32 $0x10, s14;
	s12 =	sadd.s32 $0x10, s12  }
0x38: {  	[spmem:s9] =	stream.indirect_vreg.scatter.add.s32 [tilespmem:s12], [sflag:$0x1], $0x1, v0, vm0, $0x4038;
	[tilespmem:$0x7F80] =	vst v63  }
.Ltmp4:
0x39: {  	(pc) =	sbr.rel .LBB2_5-.Ltmp4, $4  }
0x3a: {  	_ = 	snop  }
0x3b: {  	_ =	swait.ge [sflag:s4], $0x1F40  }
0x3c: {  	[sflag:s4] =	ssyncset.done $0x0  }
0x3d: {  	[sflag:s4] =	ssyncadd.s32 $0xFFFFE0C0  }
.LBB2_6:
0x3e: {  	_ =	sfence.sel $0x180000  }
0x3f: {  	s2 =	simm.s32 $0x2;
	[bflag:$0x0] =	sbarrier.arrive $0xFFFF  }
0x40: {  	s30 =	simm.s32 $0x1;
	[sflag:s2] =	ssyncpa.u1 $0x1  }
0x41: {  	[sflag:s30] =	ssyncpa.u1 $0x1  }
0x42: {  	_ =	sfence.stream.spmem  }
0x43: {  	s31 =	simm.s32 $0x3D;
	[bflag:$0x0] =	sbarrier.arrive $0xFFFF  }
0x44: {  	s2 =	simm.s32 @p0 $0x3D;
	[sflag:s31] =	ssyncpa.u1 $0x0  }
0x45: {  	[sflag:s2] =	ssyncpa.u1 @p0 $0x1  }
0x46: {  	[bflag:$0x0] =	sbarrier.arrive @p0 $0xFFFF  }
0x47: {  	_ =	strace @p0 $0x9000004A  }
0x48: {  	s3 =	simm.s32 @!p0 $0x1C3D;
	s2 =	simm.s32 @!p0 $0x0;
	[bflag:$0x2] =	sbarrier.arrive @p0 $0xFFFF  }
0x49: {  	[hbm:s1], [sflag:s3] =	dma.local @!p0 [spmem:s2], $0x500  }
0x4a: {  	s1 =	simm.s32 @!p0 $0x3D  }
0x4b: {  	_ =	swait.ge @!p0 [sflag:s1], $0x500  }
0x4c: {  	[sflag:s1] =	ssyncset.done @!p0 $0x0  }
0x4d: {  	[sflag:s1] =	ssyncadd.s32 @!p0 $0xFFFFFB00  }
0x4e: {  	[sflag:s1] =	ssyncpa.u1 @!p0 $0x1  }
0x4f: {  	[bflag:$0x0] =	sbarrier.arrive @!p0 $0xFFFF  }
0x50: {  	_ =	strace @!p0 $0x9000004A  }
0x51: {  	s0 =	sadd.s32 @!p0 $0x100000, s0;
	[bflag:$0x2] =	sbarrier.arrive @!p0 $0xFFFF  }
0x52: {  	[sflag:s0] =	ssyncadd.tile.s32 @!p0 $0x1;
	_ =	shalt  }
.Lfunc_end2:
_tile_overlayer_lowered:
.L_overlay_start_2:
0x53: {  	(tag) =	ssettag $0x2  }
0x54: {  	s0 =	rddreg [dreg:$0x0];
	s2 =	stileid.u32  }
0x55: {  	s1 =	rddreg [dreg:$0x1];
	p0 =	sne.s32 s2, $0x0  }
0x56: {  	s3 =	rddreg [dreg:$0x2];
	[bflag:$0x3] =	sbarrier.arrive $0xFFFF;
	s2 =	simm.s32 @!p0 $0x1C01  }
0x57: {  	[timem:s3], [sflag:s2] =	dma.local @!p0 [hbm:s0], s1  }
0x58: {  	s0 =	simm.s32 @!p0 $0x1  }
0x59: {  	_ =	swait.ge @!p0 [sflag:s0], s1  }
0x5a: {  	s1 =	ssub.s32 @!p0 $0x0, s1;
	[sflag:s0] =	ssyncset.done @!p0 $0x0  }
0x5b: {  	[sflag:s0] =	ssyncadd.s32 @!p0 s1  }
0x5c: {  	[bflag:$0x3] =	sbarrier.arrive $0xFFFF  }
0x5d: {  	_ =	shalt  }

</sc_bundles>
